<compile_context>
chip_gen: v7x
topology: tpu7x:2x2x1
jax: 0.10.2.dev20260603
libtpu: 0.0.44.dev20260713+nightly
codegen_flags: <defaults>
</compile_context>

<pallas_src>
import jax
import jax.numpy as jnp
from jax import lax
from jax.experimental import pallas as pl
from jax.experimental.pallas import tpu as pltpu
from jax.experimental.pallas import tpu_sc as plsc

NC, NS = 2, 16
NW = NC * NS
B = 16384
D = 64
L = 16
BPW = B // NW
IDX_ROWS = B // 128 // NW
NSEM = 2


def _sc_dot_body(u_hbm, i_hbm, ut_hbm, it_hbm, out_hbm,
                 uidx, iidx, ubuf, ibuf, wbuf, outv, *sems):
    wid = lax.axis_index("s") * NC + lax.axis_index("c")
    row0 = wid * IDX_ROWS

    pltpu.sync_copy(u_hbm.at[pl.ds(row0, IDX_ROWS)], uidx)
    pltpu.sync_copy(i_hbm.at[pl.ds(row0, IDX_ROWS)], iidx)

    def fire(t, carry):
        uv = uidx[t // 8, pl.ds((t % 8) * L, L)]
        iv = iidx[t // 8, pl.ds((t % 8) * L, L)]
        for j in range(L):
            p = t * (L // 2) + j // 2
            h = (j % 2) * D
            pltpu.async_copy(ut_hbm.at[uv[j]], ubuf.at[p, pl.ds(h, D)],
                             sems[0])
            pltpu.async_copy(it_hbm.at[iv[j]], ibuf.at[p, pl.ds(h, D)],
                             sems[1])
        return carry
    lax.fori_loop(0, BPW // L, fire, 0)

    def drain(t, carry):
        pltpu.make_async_copy(
            ut_hbm.at[0], ubuf.at[0, pl.ds(0, D)], sems[0]).wait()
        pltpu.make_async_copy(
            it_hbm.at[0], ibuf.at[0, pl.ds(0, D)], sems[1]).wait()
        return carry
    lax.fori_loop(0, BPW, drain, 0)

    def pair_body(p, carry):
        for h in range(2):
            o = h * D
            w = ubuf[p, pl.ds(o, L)] * ibuf[p, pl.ds(o, L)]
            w += ubuf[p, pl.ds(o + L, L)] * ibuf[p, pl.ds(o + L, L)]
            w += ubuf[p, pl.ds(o + 2 * L, L)] * ibuf[p, pl.ds(o + 2 * L, L)]
            w += ubuf[p, pl.ds(o + 3 * L, L)] * ibuf[p, pl.ds(o + 3 * L, L)]
            wbuf[pl.ds((2 * p + h) * L, L)] = w
        return carry
    lax.fori_loop(0, BPW // 2, pair_body, 0)

    def grp_body(g, carry):
        j0 = g * L
        base_ids = (j0 + lax.iota(jnp.int32, L)) * L
        acc = plsc.load_gather(wbuf, [base_ids])
        for l in range(1, L):
            acc += plsc.load_gather(wbuf, [base_ids + l])
        outv[pl.ds(j0, L)] = acc
        return carry
    lax.fori_loop(0, BPW // L, grp_body, 0)

    pltpu.sync_copy(outv, out_hbm.at[pl.ds(wid * BPW, BPW)])


def kernel(user, item, user_table, item_table):
    user2d = user.reshape(128, 128)
    item2d = item.reshape(128, 128)
    mesh = plsc.VectorSubcoreMesh(core_axis_name="c", subcore_axis_name="s")
    out = pl.kernel(
        _sc_dot_body,
        out_type=jax.ShapeDtypeStruct((B,), jnp.float32),
        mesh=mesh,
        compiler_params=pltpu.CompilerParams(needs_layout_passes=False),
        scratch_types=[
            pltpu.VMEM((IDX_ROWS, 128), jnp.int32),
            pltpu.VMEM((IDX_ROWS, 128), jnp.int32),
            pltpu.VMEM((BPW // 2, 2 * D), jnp.float32),
            pltpu.VMEM((BPW // 2, 2 * D), jnp.float32),
            pltpu.VMEM((BPW * L,), jnp.float32),
            pltpu.VMEM((BPW,), jnp.float32),
        ] + [pltpu.SemaphoreType.DMA] * NSEM,
    )(user2d, item2d, user_table, item_table)
    return out

# --- scband reference (transcript-rebuilt; emitter-appended) ---
"""Pipeline reference for scband-matrix-factorization-rating-prediction-15290083574344 (READ-ONLY COPY).

The authoritative reference and input builder live on the scoring server;
editing this copy changes nothing except your own understanding.
"""

import jax, jax.numpy as jnp
import numpy as np

NUM_USERS = 1000000
NUM_ITEMS = 1000000
EMBED_DIM = 64
BATCH = 16384


def setup_inputs(seed: int = 0) -> dict:
    key = jax.random.key(seed)
    k_user, k_item, k_ut, k_it = jax.random.split(key, 4)
    user = jax.random.randint(k_user, (BATCH,), 0, NUM_USERS, dtype=jnp.int64 if jax.config.jax_enable_x64 else jnp.int32).astype(jnp.int32)
    item = jax.random.randint(k_item, (BATCH,), 0, NUM_ITEMS, dtype=jnp.int32)
    user_table = jax.random.normal(k_ut, (NUM_USERS, EMBED_DIM), dtype=jnp.float32)
    item_table = jax.random.normal(k_it, (NUM_ITEMS, EMBED_DIM), dtype=jnp.float32)
    return {"user": user, "item": item, "user_table": user_table, "item_table": item_table}


def reference(user, item, user_table, item_table):
    # user_emb = self.user_embedding(user)
    user_emb = jnp.take(user_table, user, axis=0)
    # item_emb = self.item_embedding(item)
    item_emb = jnp.take(item_table, item, axis=0)
    # output = torch.sum(user_emb * item_emb, dim=-1)
    output = jnp.sum(user_emb * item_emb, axis=-1)
    return output

if __name__ == "__main__":
    import jax
    _d = setup_inputs()
    print(jax.jit(kernel)(*tuple(_d.values())))

</pallas_src>

<mosaic_0001>
#map = affine_map<(d0, d1) -> (0, 0)>
#map1 = affine_map<(d0, d1) -> (0)>
module attributes {stable_mosaic.version = 14 : i64} {
  func.func @_sc_dot_body(%arg0: i32, %arg1: i32, %arg2: memref<128x128xi32, #tpu.memory_space<hbm>>, %arg3: memref<128x128xi32, #tpu.memory_space<hbm>>, %arg4: memref<1000000x64xf32, #tpu.memory_space<hbm>>, %arg5: memref<1000000x64xf32, #tpu.memory_space<hbm>>, %arg6: memref<16384xf32, #tpu.memory_space<hbm>>, %arg7: memref<4x128xi32, #tpu.memory_space<vmem>>, %arg8: memref<4x128xi32, #tpu.memory_space<vmem>>, %arg9: memref<256x128xf32, #tpu.memory_space<vmem>>, %arg10: memref<256x128xf32, #tpu.memory_space<vmem>>, %arg11: memref<8192xf32, #tpu.memory_space<vmem>>, %arg12: memref<512xf32, #tpu.memory_space<vmem>>, %arg13: memref<!tpu.dma_semaphore, #tpu.memory_space<semaphore_mem>>, %arg14: memref<!tpu.dma_semaphore, #tpu.memory_space<semaphore_mem>>) attributes {dimension_semantics = [#tpu.dimension_semantics<core_parallel>, #tpu.dimension_semantics<subcore_parallel>], iteration_bounds = array<i64: 2, 16>, scalar_prefetch = 0 : i64, scratch_operands = 8 : i64, tpu.core_type = #tpu.core_type<sc_vector_subcore>, window_params = [{transform_indices = #map}, {transform_indices = #map}, {transform_indices = #map}, {transform_indices = #map}, {transform_indices = #map1}]} {
    %mul3A = arith.constant 2 : i32
    %mul3A_0 = arith.muli %arg1, %mul3A : i32
    %add3A = arith.addi %mul3A_0, %arg0 : i32
    %mul3A_1 = arith.constant 4 : i32
    %mul3A_2 = arith.muli %add3A, %mul3A_1 : i32
    "tpu.region"() ({
      %run_scoped3A = tpu.sem_alloc : memref<!tpu.dma_semaphore, #tpu.memory_space<semaphore_mem>>
      %dma_start3A = arith.constant 0 : i32
      %dma_start3A_28 = tpu.memref_slice %arg2[%mul3A_2, %dma_start3A] : memref<128x128xi32, #tpu.memory_space<hbm>> -> memref<4x128xi32, #tpu.memory_space<hbm>>
      %dma_start3A_29 = arith.constant 0 : i32
      %dma_start3A_30 = tpu.memref_slice %arg2[%mul3A_2, %dma_start3A_29] : memref<128x128xi32, #tpu.memory_space<hbm>> -> memref<4x128xi32, #tpu.memory_space<hbm>>
      tpu.enqueue_dma source(%dma_start3A_30 : memref<4x128xi32, #tpu.memory_space<hbm>>) target(%arg7 : memref<4x128xi32, #tpu.memory_space<vmem>>) target_semaphore(%run_scoped3A : memref<!tpu.dma_semaphore, #tpu.memory_space<semaphore_mem>>)
      %dma_wait3A = arith.constant 0 : i32
      %dma_wait3A_31 = tpu.memref_slice %arg2[%mul3A_2, %dma_wait3A] : memref<128x128xi32, #tpu.memory_space<hbm>> -> memref<4x128xi32, #tpu.memory_space<hbm>>
      %dma_wait3A_32 = arith.constant 0 : i32
      %dma_wait3A_33 = tpu.memref_slice %arg2[%mul3A_2, %dma_wait3A_32] : memref<128x128xi32, #tpu.memory_space<hbm>> -> memref<4x128xi32, #tpu.memory_space<hbm>>
      tpu.wait_dma2 semaphore(%run_scoped3A : memref<!tpu.dma_semaphore, #tpu.memory_space<semaphore_mem>>) src(%dma_wait3A_33 : memref<4x128xi32, #tpu.memory_space<hbm>>) dst(%arg7 : memref<4x128xi32, #tpu.memory_space<vmem>>)
      tpu.yield
    }) : () -> ()
    "tpu.region"() ({
      %run_scoped3A = tpu.sem_alloc : memref<!tpu.dma_semaphore, #tpu.memory_space<semaphore_mem>>
      %dma_start3A = arith.constant 0 : i32
      %dma_start3A_28 = tpu.memref_slice %arg3[%mul3A_2, %dma_start3A] : memref<128x128xi32, #tpu.memory_space<hbm>> -> memref<4x128xi32, #tpu.memory_space<hbm>>
      %dma_start3A_29 = arith.constant 0 : i32
      %dma_start3A_30 = tpu.memref_slice %arg3[%mul3A_2, %dma_start3A_29] : memref<128x128xi32, #tpu.memory_space<hbm>> -> memref<4x128xi32, #tpu.memory_space<hbm>>
      tpu.enqueue_dma source(%dma_start3A_30 : memref<4x128xi32, #tpu.memory_space<hbm>>) target(%arg8 : memref<4x128xi32, #tpu.memory_space<vmem>>) target_semaphore(%run_scoped3A : memref<!tpu.dma_semaphore, #tpu.memory_space<semaphore_mem>>)
      %dma_wait3A = arith.constant 0 : i32
      %dma_wait3A_31 = tpu.memref_slice %arg3[%mul3A_2, %dma_wait3A] : memref<128x128xi32, #tpu.memory_space<hbm>> -> memref<4x128xi32, #tpu.memory_space<hbm>>
      %dma_wait3A_32 = arith.constant 0 : i32
      %dma_wait3A_33 = tpu.memref_slice %arg3[%mul3A_2, %dma_wait3A_32] : memref<128x128xi32, #tpu.memory_space<hbm>> -> memref<4x128xi32, #tpu.memory_space<hbm>>
      tpu.wait_dma2 semaphore(%run_scoped3A : memref<!tpu.dma_semaphore, #tpu.memory_space<semaphore_mem>>) src(%dma_wait3A_33 : memref<4x128xi32, #tpu.memory_space<hbm>>) dst(%arg8 : memref<4x128xi32, #tpu.memory_space<vmem>>)
      tpu.yield
    }) : () -> ()
    %scan3A = arith.constant 0 : i32
    %scan3A_3 = arith.constant 0 : i32
    %scan3A_4 = arith.constant 32 : i32
    %scan3A_5 = arith.addi %scan3A_3, %scan3A_4 : i32
    %scan3A_6 = arith.constant 1 : i32
    scf.for %scan3A_28 = %scan3A_3 to %scan3A_5 step %scan3A_6  : i32 {
      %jit3A = arith.constant 8 : i32
      %div3A = arith.divsi %scan3A_28, %jit3A : i32
      %sign3A = arith.constant 0 : i32
      %sign3A_29 = arith.cmpi sgt, %scan3A_28, %sign3A : i32
      %sign3A_30 = arith.extui %sign3A_29 : i1 to i32
      %sign3A_31 = arith.constant 0 : i32
      %sign3A_32 = arith.cmpi slt, %scan3A_28, %sign3A_31 : i32
      %sign3A_33 = arith.extui %sign3A_32 : i1 to i32
      %sign3A_34 = arith.subi %sign3A_30, %sign3A_33 : i32
      %sign3A_35 = arith.constant 0 : i32
      %sign3A_36 = arith.cmpi sgt, %jit3A, %sign3A_35 : i32
      %sign3A_37 = arith.extui %sign3A_36 : i1 to i32
      %sign3A_38 = arith.constant 0 : i32
      %sign3A_39 = arith.cmpi slt, %jit3A, %sign3A_38 : i32
      %sign3A_40 = arith.extui %sign3A_39 : i1 to i32
      %sign3A_41 = arith.subi %sign3A_37, %sign3A_40 : i32
      %ne3A = arith.cmpi ne, %sign3A_34, %sign3A_41 : i32
      %rem3A = arith.remsi %scan3A_28, %jit3A : i32
      %ne3A_42 = arith.constant 0 : i32
      %ne3A_43 = arith.cmpi ne, %rem3A, %ne3A_42 : i32
      %and3A = arith.andi %ne3A, %ne3A_43 : i1
      %sub3A = arith.constant 1 : i32
      %sub3A_44 = arith.subi %div3A, %sub3A : i32
      %select_n3A = arith.select %and3A, %sub3A_44, %div3A : i32
      %jit3A_45 = arith.constant 8 : i32
      %eq3A = arith.constant 0 : i32
      %eq3A_46 = arith.cmpi eq, %jit3A_45, %eq3A : i32
      %jit3A_47 = arith.constant 1 : i32
      %select_n3A_48 = arith.select %eq3A_46, %jit3A_47, %jit3A_45 : i32
      %rem3A_49 = arith.remsi %scan3A_28, %select_n3A_48 : i32
      %ne3A_50 = arith.constant 0 : i32
      %ne3A_51 = arith.cmpi ne, %rem3A_49, %ne3A_50 : i32
      %lt3A = arith.constant 0 : i32
      %lt3A_52 = arith.cmpi slt, %rem3A_49, %lt3A : i32
      %lt3A_53 = arith.constant 0 : i32
      %lt3A_54 = arith.cmpi slt, %select_n3A_48, %lt3A_53 : i32
      %ne3A_55 = arith.xori %lt3A_52, %lt3A_54 : i1
      %and3A_56 = arith.andi %ne3A_55, %ne3A_51 : i1
      %add3A_57 = arith.addi %rem3A_49, %select_n3A_48 : i32
      %select_n3A_58 = arith.select %and3A_56, %add3A_57, %rem3A_49 : i32
      %mul3A_59 = arith.constant 16 : i32
      %mul3A_60 = arith.muli %select_n3A_58, %mul3A_59 : i32
      %get3A = arith.index_cast %select_n3A : i32 to index
      %get3A_61 = arith.index_cast %mul3A_60 : i32 to index
      %get3A_62 = tpu.vector_load %arg7[%get3A, %get3A_61] {strides = array<i32>} : memref<4x128xi32, #tpu.memory_space<vmem>>, vector<16xi32>,
      %jit3A_63 = arith.constant 8 : i32
      %div3A_64 = arith.divsi %scan3A_28, %jit3A_63 : i32
      %sign3A_65 = arith.constant 0 : i32
      %sign3A_66 = arith.cmpi sgt, %scan3A_28, %sign3A_65 : i32
      %sign3A_67 = arith.extui %sign3A_66 : i1 to i32
      %sign3A_68 = arith.constant 0 : i32
      %sign3A_69 = arith.cmpi slt, %scan3A_28, %sign3A_68 : i32
      %sign3A_70 = arith.extui %sign3A_69 : i1 to i32
      %sign3A_71 = arith.subi %sign3A_67, %sign3A_70 : i32
      %sign3A_72 = arith.constant 0 : i32
      %sign3A_73 = arith.cmpi sgt, %jit3A_63, %sign3A_72 : i32
      %sign3A_74 = arith.extui %sign3A_73 : i1 to i32
      %sign3A_75 = arith.constant 0 : i32
      %sign3A_76 = arith.cmpi slt, %jit3A_63, %sign3A_75 : i32
      %sign3A_77 = arith.extui %sign3A_76 : i1 to i32
      %sign3A_78 = arith.subi %sign3A_74, %sign3A_77 : i32
      %ne3A_79 = arith.cmpi ne, %sign3A_71, %sign3A_78 : i32
      %rem3A_80 = arith.remsi %scan3A_28, %jit3A_63 : i32
      %ne3A_81 = arith.constant 0 : i32
      %ne3A_82 = arith.cmpi ne, %rem3A_80, %ne3A_81 : i32
      %and3A_83 = arith.andi %ne3A_79, %ne3A_82 : i1
      %sub3A_84 = arith.constant 1 : i32
      %sub3A_85 = arith.subi %div3A_64, %sub3A_84 : i32
      %select_n3A_86 = arith.select %and3A_83, %sub3A_85, %div3A_64 : i32
      %jit3A_87 = arith.constant 8 : i32
      %eq3A_88 = arith.constant 0 : i32
      %eq3A_89 = arith.cmpi eq, %jit3A_87, %eq3A_88 : i32
      %jit3A_90 = arith.constant 1 : i32
      %select_n3A_91 = arith.select %eq3A_89, %jit3A_90, %jit3A_87 : i32
      %rem3A_92 = arith.remsi %scan3A_28, %select_n3A_91 : i32
      %ne3A_93 = arith.constant 0 : i32
      %ne3A_94 = arith.cmpi ne, %rem3A_92, %ne3A_93 : i32
      %lt3A_95 = arith.constant 0 : i32
      %lt3A_96 = arith.cmpi slt, %rem3A_92, %lt3A_95 : i32
      %lt3A_97 = arith.constant 0 : i32
      %lt3A_98 = arith.cmpi slt, %select_n3A_91, %lt3A_97 : i32
      %ne3A_99 = arith.xori %lt3A_96, %lt3A_98 : i1
      %and3A_100 = arith.andi %ne3A_99, %ne3A_94 : i1
      %add3A_101 = arith.addi %rem3A_92, %select_n3A_91 : i32
      %select_n3A_102 = arith.select %and3A_100, %add3A_101, %rem3A_92 : i32
      %mul3A_103 = arith.constant 16 : i32
      %mul3A_104 = arith.muli %select_n3A_102, %mul3A_103 : i32
      %get3A_105 = arith.index_cast %select_n3A_86 : i32 to index
      %get3A_106 = arith.index_cast %mul3A_104 : i32 to index
      %get3A_107 = tpu.vector_load %arg8[%get3A_105, %get3A_106] {strides = array<i32>} : memref<4x128xi32, #tpu.memory_space<vmem>>, vector<16xi32>,
      %mul3A_108 = arith.constant 8 : i32
      %mul3A_109 = arith.muli %scan3A_28, %mul3A_108 : i32
      %add3A_110 = arith.constant 0 : i32
      %add3A_111 = arith.addi %mul3A_109, %add3A_110 : i32
      %slice3A = vector.extract_strided_slice %get3A_62 {offsets = [0], sizes = [1], strides = [1]} : vector<16xi32> to vector<1xi32>
      %squeeze3A = vector.extract %slice3A[0] : i32 from vector<1xi32>
      %dma_start3A = arith.constant 0 : i32
      %dma_start3A_112 = tpu.memref_slice %arg9[%add3A_111, %dma_start3A] : memref<256x128xf32, #tpu.memory_space<vmem>> -> memref<1x64xf32, #tpu.memory_space<vmem>>
      %dma_start3A_113 = tpu.memref_squeeze %dma_start3A_112 : memref<1x64xf32, #tpu.memory_space<vmem>> -> memref<64xf32, #tpu.memory_space<vmem>>
      %dma_start3A_114 = arith.constant 0 : i32
      %dma_start3A_115 = tpu.memref_slice %arg4[%squeeze3A, %dma_start3A_114] : memref<1000000x64xf32, #tpu.memory_space<hbm>> -> memref<1x64xf32, #tpu.memory_space<hbm>>
      %dma_start3A_116 = tpu.memref_squeeze %dma_start3A_115 : memref<1x64xf32, #tpu.memory_space<hbm>> -> memref<64xf32, #tpu.memory_space<hbm>>
      %dma_start3A_117 = arith.constant 0 : i32
      %dma_start3A_118 = tpu.memref_slice %arg9[%add3A_111, %dma_start3A_117] : memref<256x128xf32, #tpu.memory_space<vmem>> -> memref<1x64xf32, #tpu.memory_space<vmem>>
      %dma_start3A_119 = tpu.memref_squeeze %dma_start3A_118 : memref<1x64xf32, #tpu.memory_space<vmem>> -> memref<64xf32, #tpu.memory_space<vmem>>
      %dma_start3A_120 = arith.constant 0 : i32
      %dma_start3A_121 = tpu.memref_slice %arg4[%squeeze3A, %dma_start3A_120] : memref<1000000x64xf32, #tpu.memory_space<hbm>> -> memref<1x64xf32, #tpu.memory_space<hbm>>
      %dma_start3A_122 = tpu.memref_squeeze %dma_start3A_121 : memref<1x64xf32, #tpu.memory_space<hbm>> -> memref<64xf32, #tpu.memory_space<hbm>>
      tpu.enqueue_dma source(%dma_start3A_122 : memref<64xf32, #tpu.memory_space<hbm>>) target(%dma_start3A_119 : memref<64xf32, #tpu.memory_space<vmem>>) target_semaphore(%arg13 : memref<!tpu.dma_semaphore, #tpu.memory_space<semaphore_mem>>)
      %slice3A_123 = vector.extract_strided_slice %get3A_107 {offsets = [0], sizes = [1], strides = [1]} : vector<16xi32> to vector<1xi32>
      %squeeze3A_124 = vector.extract %slice3A_123[0] : i32 from vector<1xi32>
      %dma_start3A_125 = arith.constant 0 : i32
      %dma_start3A_126 = tpu.memref_slice %arg10[%add3A_111, %dma_start3A_125] : memref<256x128xf32, #tpu.memory_space<vmem>> -> memref<1x64xf32, #tpu.memory_space<vmem>>
      %dma_start3A_127 = tpu.memref_squeeze %dma_start3A_126 : memref<1x64xf32, #tpu.memory_space<vmem>> -> memref<64xf32, #tpu.memory_space<vmem>>
      %dma_start3A_128 = arith.constant 0 : i32
      %dma_start3A_129 = tpu.memref_slice %arg5[%squeeze3A_124, %dma_start3A_128] : memref<1000000x64xf32, #tpu.memory_space<hbm>> -> memref<1x64xf32, #tpu.memory_space<hbm>>
      %dma_start3A_130 = tpu.memref_squeeze %dma_start3A_129 : memref<1x64xf32, #tpu.memory_space<hbm>> -> memref<64xf32, #tpu.memory_space<hbm>>
      %dma_start3A_131 = arith.constant 0 : i32
      %dma_start3A_132 = tpu.memref_slice %arg10[%add3A_111, %dma_start3A_131] : memref<256x128xf32, #tpu.memory_space<vmem>> -> memref<1x64xf32, #tpu.memory_space<vmem>>
      %dma_start3A_133 = tpu.memref_squeeze %dma_start3A_132 : memref<1x64xf32, #tpu.memory_space<vmem>> -> memref<64xf32, #tpu.memory_space<vmem>>
      %dma_start3A_134 = arith.constant 0 : i32
      %dma_start3A_135 = tpu.memref_slice %arg5[%squeeze3A_124, %dma_start3A_134] : memref<1000000x64xf32, #tpu.memory_space<hbm>> -> memref<1x64xf32, #tpu.memory_space<hbm>>
      %dma_start3A_136 = tpu.memref_squeeze %dma_start3A_135 : memref<1x64xf32, #tpu.memory_space<hbm>> -> memref<64xf32, #tpu.memory_space<hbm>>
      tpu.enqueue_dma source(%dma_start3A_136 : memref<64xf32, #tpu.memory_space<hbm>>) target(%dma_start3A_133 : memref<64xf32, #tpu.memory_space<vmem>>) target_semaphore(%arg14 : memref<!tpu.dma_semaphore, #tpu.memory_space<semaphore_mem>>)
      %mul3A_137 = arith.constant 8 : i32
      %mul3A_138 = arith.muli %scan3A_28, %mul3A_137 : i32
      %add3A_139 = arith.constant 0 : i32
      %add3A_140 = arith.addi %mul3A_138, %add3A_139 : i32
      %slice3A_141 = vector.extract_strided_slice %get3A_62 {offsets = [1], sizes = [1], strides = [1]} : vector<16xi32> to vector<1xi32>
      %squeeze3A_142 = vector.extract %slice3A_141[0] : i32 from vector<1xi32>
      %dma_start3A_143 = arith.constant 64 : i32
      %dma_start3A_144 = tpu.memref_slice %arg9[%add3A_140, %dma_start3A_143] : memref<256x128xf32, #tpu.memory_space<vmem>> -> memref<1x64xf32, #tpu.memory_space<vmem>>
      %dma_start3A_145 = tpu.memref_squeeze %dma_start3A_144 : memref<1x64xf32, #tpu.memory_space<vmem>> -> memref<64xf32, #tpu.memory_space<vmem>>
      %dma_start3A_146 = arith.constant 0 : i32
      %dma_start3A_147 = tpu.memref_slice %arg4[%squeeze3A_142, %dma_start3A_146] : memref<1000000x64xf32, #tpu.memory_space<hbm>> -> memref<1x64xf32, #tpu.memory_space<hbm>>
      %dma_start3A_148 = tpu.memref_squeeze %dma_start3A_147 : memref<1x64xf32, #tpu.memory_space<hbm>> -> memref<64xf32, #tpu.memory_space<hbm>>
      %dma_start3A_149 = arith.constant 64 : i32
      %dma_start3A_150 = tpu.memref_slice %arg9[%add3A_140, %dma_start3A_149] : memref<256x128xf32, #tpu.memory_space<vmem>> -> memref<1x64xf32, #tpu.memory_space<vmem>>
      %dma_start3A_151 = tpu.memref_squeeze %dma_start3A_150 : memref<1x64xf32, #tpu.memory_space<vmem>> -> memref<64xf32, #tpu.memory_space<vmem>>
      %dma_start3A_152 = arith.constant 0 : i32
      %dma_start3A_153 = tpu.memref_slice %arg4[%squeeze3A_142, %dma_start3A_152] : memref<1000000x64xf32, #tpu.memory_space<hbm>> -> memref<1x64xf32, #tpu.memory_space<hbm>>
      %dma_start3A_154 = tpu.memref_squeeze %dma_start3A_153 : memref<1x64xf32, #tpu.memory_space<hbm>> -> memref<64xf32, #tpu.memory_space<hbm>>
      tpu.enqueue_dma source(%dma_start3A_154 : memref<64xf32, #tpu.memory_space<hbm>>) target(%dma_start3A_151 : memref<64xf32, #tpu.memory_space<vmem>>) target_semaphore(%arg13 : memref<!tpu.dma_semaphore, #tpu.memory_space<semaphore_mem>>)
      %slice3A_155 = vector.extract_strided_slice %get3A_107 {offsets = [1], sizes = [1], strides = [1]} : vector<16xi32> to vector<1xi32>
      %squeeze3A_156 = vector.extract %slice3A_155[0] : i32 from vector<1xi32>
      %dma_start3A_157 = arith.constant 64 : i32
      %dma_start3A_158 = tpu.memref_slice %arg10[%add3A_140, %dma_start3A_157] : memref<256x128xf32, #tpu.memory_space<vmem>> -> memref<1x64xf32, #tpu.memory_space<vmem>>
      %dma_start3A_159 = tpu.memref_squeeze %dma_start3A_158 : memref<1x64xf32, #tpu.memory_space<vmem>> -> memref<64xf32, #tpu.memory_space<vmem>>
      %dma_start3A_160 = arith.constant 0 : i32
      %dma_start3A_161 = tpu.memref_slice %arg5[%squeeze3A_156, %dma_start3A_160] : memref<1000000x64xf32, #tpu.memory_space<hbm>> -> memref<1x64xf32, #tpu.memory_space<hbm>>
      %dma_start3A_162 = tpu.memref_squeeze %dma_start3A_161 : memref<1x64xf32, #tpu.memory_space<hbm>> -> memref<64xf32, #tpu.memory_space<hbm>>
      %dma_start3A_163 = arith.constant 64 : i32
      %dma_start3A_164 = tpu.memref_slice %arg10[%add3A_140, %dma_start3A_163] : memref<256x128xf32, #tpu.memory_space<vmem>> -> memref<1x64xf32, #tpu.memory_space<vmem>>
      %dma_start3A_165 = tpu.memref_squeeze %dma_start3A_164 : memref<1x64xf32, #tpu.memory_space<vmem>> -> memref<64xf32, #tpu.memory_space<vmem>>
      %dma_start3A_166 = arith.constant 0 : i32
      %dma_start3A_167 = tpu.memref_slice %arg5[%squeeze3A_156, %dma_start3A_166] : memref<1000000x64xf32, #tpu.memory_space<hbm>> -> memref<1x64xf32, #tpu.memory_space<hbm>>
      %dma_start3A_168 = tpu.memref_squeeze %dma_start3A_167 : memref<1x64xf32, #tpu.memory_space<hbm>> -> memref<64xf32, #tpu.memory_space<hbm>>
      tpu.enqueue_dma source(%dma_start3A_168 : memref<64xf32, #tpu.memory_space<hbm>>) target(%dma_start3A_165 : memref<64xf32, #tpu.memory_space<vmem>>) target_semaphore(%arg14 : memref<!tpu.dma_semaphore, #tpu.memory_space<semaphore_mem>>)
      %mul3A_169 = arith.constant 8 : i32
      %mul3A_170 = arith.muli %scan3A_28, %mul3A_169 : i32
      %add3A_171 = arith.constant 1 : i32
      %add3A_172 = arith.addi %mul3A_170, %add3A_171 : i32
      %slice3A_173 = vector.extract_strided_slice %get3A_62 {offsets = [2], sizes = [1], strides = [1]} : vector<16xi32> to vector<1xi32>
      %squeeze3A_174 = vector.extract %slice3A_173[0] : i32 from vector<1xi32>
      %dma_start3A_175 = arith.constant 0 : i32
      %dma_start3A_176 = tpu.memref_slice %arg9[%add3A_172, %dma_start3A_175] : memref<256x128xf32, #tpu.memory_space<vmem>> -> memref<1x64xf32, #tpu.memory_space<vmem>>
      %dma_start3A_177 = tpu.memref_squeeze %dma_start3A_176 : memref<1x64xf32, #tpu.memory_space<vmem>> -> memref<64xf32, #tpu.memory_space<vmem>>
      %dma_start3A_178 = arith.constant 0 : i32
      %dma_start3A_179 = tpu.memref_slice %arg4[%squeeze3A_174, %dma_start3A_178] : memref<1000000x64xf32, #tpu.memory_space<hbm>> -> memref<1x64xf32, #tpu.memory_space<hbm>>
      %dma_start3A_180 = tpu.memref_squeeze %dma_start3A_179 : memref<1x64xf32, #tpu.memory_space<hbm>> -> memref<64xf32, #tpu.memory_space<hbm>>
      %dma_start3A_181 = arith.constant 0 : i32
      %dma_start3A_182 = tpu.memref_slice %arg9[%add3A_172, %dma_start3A_181] : memref<256x128xf32, #tpu.memory_space<vmem>> -> memref<1x64xf32, #tpu.memory_space<vmem>>
      %dma_start3A_183 = tpu.memref_squeeze %dma_start3A_182 : memref<1x64xf32, #tpu.memory_space<vmem>> -> memref<64xf32, #tpu.memory_space<vmem>>
      %dma_start3A_184 = arith.constant 0 : i32
      %dma_start3A_185 = tpu.memref_slice %arg4[%squeeze3A_174, %dma_start3A_184] : memref<1000000x64xf32, #tpu.memory_space<hbm>> -> memref<1x64xf32, #tpu.memory_space<hbm>>
      %dma_start3A_186 = tpu.memref_squeeze %dma_start3A_185 : memref<1x64xf32, #tpu.memory_space<hbm>> -> memref<64xf32, #tpu.memory_space<hbm>>
      tpu.enqueue_dma source(%dma_start3A_186 : memref<64xf32, #tpu.memory_space<hbm>>) target(%dma_start3A_183 : memref<64xf32, #tpu.memory_space<vmem>>) target_semaphore(%arg13 : memref<!tpu.dma_semaphore, #tpu.memory_space<semaphore_mem>>)
      %slice3A_187 = vector.extract_strided_slice %get3A_107 {offsets = [2], sizes = [1], strides = [1]} : vector<16xi32> to vector<1xi32>
      %squeeze3A_188 = vector.extract %slice3A_187[0] : i32 from vector<1xi32>
      %dma_start3A_189 = arith.constant 0 : i32
      %dma_start3A_190 = tpu.memref_slice %arg10[%add3A_172, %dma_start3A_189] : memref<256x128xf32, #tpu.memory_space<vmem>> -> memref<1x64xf32, #tpu.memory_space<vmem>>
      %dma_start3A_191 = tpu.memref_squeeze %dma_start3A_190 : memref<1x64xf32, #tpu.memory_space<vmem>> -> memref<64xf32, #tpu.memory_space<vmem>>
      %dma_start3A_192 = arith.constant 0 : i32
      %dma_start3A_193 = tpu.memref_slice %arg5[%squeeze3A_188, %dma_start3A_192] : memref<1000000x64xf32, #tpu.memory_space<hbm>> -> memref<1x64xf32, #tpu.memory_space<hbm>>
      %dma_start3A_194 = tpu.memref_squeeze %dma_start3A_193 : memref<1x64xf32, #tpu.memory_space<hbm>> -> memref<64xf32, #tpu.memory_space<hbm>>
      %dma_start3A_195 = arith.constant 0 : i32
      %dma_start3A_196 = tpu.memref_slice %arg10[%add3A_172, %dma_start3A_195] : memref<256x128xf32, #tpu.memory_space<vmem>> -> memref<1x64xf32, #tpu.memory_space<vmem>>
      %dma_start3A_197 = tpu.memref_squeeze %dma_start3A_196 : memref<1x64xf32, #tpu.memory_space<vmem>> -> memref<64xf32, #tpu.memory_space<vmem>>
      %dma_start3A_198 = arith.constant 0 : i32
      %dma_start3A_199 = tpu.memref_slice %arg5[%squeeze3A_188, %dma_start3A_198] : memref<1000000x64xf32, #tpu.memory_space<hbm>> -> memref<1x64xf32, #tpu.memory_space<hbm>>
      %dma_start3A_200 = tpu.memref_squeeze %dma_start3A_199 : memref<1x64xf32, #tpu.memory_space<hbm>> -> memref<64xf32, #tpu.memory_space<hbm>>
      tpu.enqueue_dma source(%dma_start3A_200 : memref<64xf32, #tpu.memory_space<hbm>>) target(%dma_start3A_197 : memref<64xf32, #tpu.memory_space<vmem>>) target_semaphore(%arg14 : memref<!tpu.dma_semaphore, #tpu.memory_space<semaphore_mem>>)
      %mul3A_201 = arith.constant 8 : i32
      %mul3A_202 = arith.muli %scan3A_28, %mul3A_201 : i32
      %add3A_203 = arith.constant 1 : i32
      %add3A_204 = arith.addi %mul3A_202, %add3A_203 : i32
      %slice3A_205 = vector.extract_strided_slice %get3A_62 {offsets = [3], sizes = [1], strides = [1]} : vector<16xi32> to vector<1xi32>
      %squeeze3A_206 = vector.extract %slice3A_205[0] : i32 from vector<1xi32>
      %dma_start3A_207 = arith.constant 64 : i32
      %dma_start3A_208 = tpu.memref_slice %arg9[%add3A_204, %dma_start3A_207] : memref<256x128xf32, #tpu.memory_space<vmem>> -> memref<1x64xf32, #tpu.memory_space<vmem>>
      %dma_start3A_209 = tpu.memref_squeeze %dma_start3A_208 : memref<1x64xf32, #tpu.memory_space<vmem>> -> memref<64xf32, #tpu.memory_space<vmem>>
      %dma_start3A_210 = arith.constant 0 : i32
      %dma_start3A_211 = tpu.memref_slice %arg4[%squeeze3A_206, %dma_start3A_210] : memref<1000000x64xf32, #tpu.memory_space<hbm>> -> memref<1x64xf32, #tpu.memory_space<hbm>>
      %dma_start3A_212 = tpu.memref_squeeze %dma_start3A_211 : memref<1x64xf32, #tpu.memory_space<hbm>> -> memref<64xf32, #tpu.memory_space<hbm>>
      %dma_start3A_213 = arith.constant 64 : i32
      %dma_start3A_214 = tpu.memref_slice %arg9[%add3A_204, %dma_start3A_213] : memref<256x128xf32, #tpu.memory_space<vmem>> -> memref<1x64xf32, #tpu.memory_space<vmem>>
      %dma_start3A_215 = tpu.memref_squeeze %dma_start3A_214 : memref<1x64xf32, #tpu.memory_space<vmem>> -> memref<64xf32, #tpu.memory_space<vmem>>
      %dma_start3A_216 = arith.constant 0 : i32
      %dma_start3A_217 = tpu.memref_slice %arg4[%squeeze3A_206, %dma_start3A_216] : memref<1000000x64xf32, #tpu.memory_space<hbm>> -> memref<1x64xf32, #tpu.memory_space<hbm>>
      %dma_start3A_218 = tpu.memref_squeeze %dma_start3A_217 : memref<1x64xf32, #tpu.memory_space<hbm>> -> memref<64xf32, #tpu.memory_space<hbm>>
      tpu.enqueue_dma source(%dma_start3A_218 : memref<64xf32, #tpu.memory_space<hbm>>) target(%dma_start3A_215 : memref<64xf32, #tpu.memory_space<vmem>>) target_semaphore(%arg13 : memref<!tpu.dma_semaphore, #tpu.memory_space<semaphore_mem>>)
      %slice3A_219 = vector.extract_strided_slice %get3A_107 {offsets = [3], sizes = [1], strides = [1]} : vector<16xi32> to vector<1xi32>
      %squeeze3A_220 = vector.extract %slice3A_219[0] : i32 from vector<1xi32>
      %dma_start3A_221 = arith.constant 64 : i32
      %dma_start3A_222 = tpu.memref_slice %arg10[%add3A_204, %dma_start3A_221] : memref<256x128xf32, #tpu.memory_space<vmem>> -> memref<1x64xf32, #tpu.memory_space<vmem>>
      %dma_start3A_223 = tpu.memref_squeeze %dma_start3A_222 : memref<1x64xf32, #tpu.memory_space<vmem>> -> memref<64xf32, #tpu.memory_space<vmem>>
      %dma_start3A_224 = arith.constant 0 : i32
      %dma_start3A_225 = tpu.memref_slice %arg5[%squeeze3A_220, %dma_start3A_224] : memref<1000000x64xf32, #tpu.memory_space<hbm>> -> memref<1x64xf32, #tpu.memory_space<hbm>>
      %dma_start3A_226 = tpu.memref_squeeze %dma_start3A_225 : memref<1x64xf32, #tpu.memory_space<hbm>> -> memref<64xf32, #tpu.memory_space<hbm>>
      %dma_start3A_227 = arith.constant 64 : i32
      %dma_start3A_228 = tpu.memref_slice %arg10[%add3A_204, %dma_start3A_227] : memref<256x128xf32, #tpu.memory_space<vmem>> -> memref<1x64xf32, #tpu.memory_space<vmem>>
      %dma_start3A_229 = tpu.memref_squeeze %dma_start3A_228 : memref<1x64xf32, #tpu.memory_space<vmem>> -> memref<64xf32, #tpu.memory_space<vmem>>
      %dma_start3A_230 = arith.constant 0 : i32
      %dma_start3A_231 = tpu.memref_slice %arg5[%squeeze3A_220, %dma_start3A_230] : memref<1000000x64xf32, #tpu.memory_space<hbm>> -> memref<1x64xf32, #tpu.memory_space<hbm>>
      %dma_start3A_232 = tpu.memref_squeeze %dma_start3A_231 : memref<1x64xf32, #tpu.memory_space<hbm>> -> memref<64xf32, #tpu.memory_space<hbm>>
      tpu.enqueue_dma source(%dma_start3A_232 : memref<64xf32, #tpu.memory_space<hbm>>) target(%dma_start3A_229 : memref<64xf32, #tpu.memory_space<vmem>>) target_semaphore(%arg14 : memref<!tpu.dma_semaphore, #tpu.memory_space<semaphore_mem>>)
      %mul3A_233 = arith.constant 8 : i32
      %mul3A_234 = arith.muli %scan3A_28, %mul3A_233 : i32
      %add3A_235 = arith.constant 2 : i32
      %add3A_236 = arith.addi %mul3A_234, %add3A_235 : i32
      %slice3A_237 = vector.extract_strided_slice %get3A_62 {offsets = [4], sizes = [1], strides = [1]} : vector<16xi32> to vector<1xi32>
      %squeeze3A_238 = vector.extract %slice3A_237[0] : i32 from vector<1xi32>
      %dma_start3A_239 = arith.constant 0 : i32
      %dma_start3A_240 = tpu.memref_slice %arg9[%add3A_236, %dma_start3A_239] : memref<256x128xf32, #tpu.memory_space<vmem>> -> memref<1x64xf32, #tpu.memory_space<vmem>>
      %dma_start3A_241 = tpu.memref_squeeze %dma_start3A_240 : memref<1x64xf32, #tpu.memory_space<vmem>> -> memref<64xf32, #tpu.memory_space<vmem>>
      %dma_start3A_242 = arith.constant 0 : i32
      %dma_start3A_243 = tpu.memref_slice %arg4[%squeeze3A_238, %dma_start3A_242] : memref<1000000x64xf32, #tpu.memory_space<hbm>> -> memref<1x64xf32, #tpu.memory_space<hbm>>
      %dma_start3A_244 = tpu.memref_squeeze %dma_start3A_243 : memref<1x64xf32, #tpu.memory_space<hbm>> -> memref<64xf32, #tpu.memory_space<hbm>>
      %dma_start3A_245 = arith.constant 0 : i32
      %dma_start3A_246 = tpu.memref_slice %arg9[%add3A_236, %dma_start3A_245] : memref<256x128xf32, #tpu.memory_space<vmem>> -> memref<1x64xf32, #tpu.memory_space<vmem>>
      %dma_start3A_247 = tpu.memref_squeeze %dma_start3A_246 : memref<1x64xf32, #tpu.memory_space<vmem>> -> memref<64xf32, #tpu.memory_space<vmem>>
      %dma_start3A_248 = arith.constant 0 : i32
      %dma_start3A_249 = tpu.memref_slice %arg4[%squeeze3A_238, %dma_start3A_248] : memref<1000000x64xf32, #tpu.memory_space<hbm>> -> memref<1x64xf32, #tpu.memory_space<hbm>>
      %dma_start3A_250 = tpu.memref_squeeze %dma_start3A_249 : memref<1x64xf32, #tpu.memory_space<hbm>> -> memref<64xf32, #tpu.memory_space<hbm>>
      tpu.enqueue_dma source(%dma_start3A_250 : memref<64xf32, #tpu.memory_space<hbm>>) target(%dma_start3A_247 : memref<64xf32, #tpu.memory_space<vmem>>) target_semaphore(%arg13 : memref<!tpu.dma_semaphore, #tpu.memory_space<semaphore_mem>>)
      %slice3A_251 = vector.extract_strided_slice %get3A_107 {offsets = [4], sizes = [1], strides = [1]} : vector<16xi32> to vector<1xi32>
      %squeeze3A_252 = vector.extract %slice3A_251[0] : i32 from vector<1xi32>
      %dma_start3A_253 = arith.constant 0 : i32
      %dma_start3A_254 = tpu.memref_slice %arg10[%add3A_236, %dma_start3A_253] : memref<256x128xf32, #tpu.memory_space<vmem>> -> memref<1x64xf32, #tpu.memory_space<vmem>>
      %dma_start3A_255 = tpu.memref_squeeze %dma_start3A_254 : memref<1x64xf32, #tpu.memory_space<vmem>> -> memref<64xf32, #tpu.memory_space<vmem>>
      %dma_start3A_256 = arith.constant 0 : i32
      %dma_start3A_257 = tpu.memref_slice %arg5[%squeeze3A_252, %dma_start3A_256] : memref<1000000x64xf32, #tpu.memory_space<hbm>> -> memref<1x64xf32, #tpu.memory_space<hbm>>
      %dma_start3A_258 = tpu.memref_squeeze %dma_start3A_257 : memref<1x64xf32, #tpu.memory_space<hbm>> -> memref<64xf32, #tpu.memory_space<hbm>>
      %dma_start3A_259 = arith.constant 0 : i32
      %dma_start3A_260 = tpu.memref_slice %arg10[%add3A_236, %dma_start3A_259] : memref<256x128xf32, #tpu.memory_space<vmem>> -> memref<1x64xf32, #tpu.memory_space<vmem>>
      %dma_start3A_261 = tpu.memref_squeeze %dma_start3A_260 : memref<1x64xf32, #tpu.memory_space<vmem>> -> memref<64xf32, #tpu.memory_space<vmem>>
      %dma_start3A_262 = arith.constant 0 : i32
      %dma_start3A_263 = tpu.memref_slice %arg5[%squeeze3A_252, %dma_start3A_262] : memref<1000000x64xf32, #tpu.memory_space<hbm>> -> memref<1x64xf32, #tpu.memory_space<hbm>>
      %dma_start3A_264 = tpu.memref_squeeze %dma_start3A_263 : memref<1x64xf32, #tpu.memory_space<hbm>> -> memref<64xf32, #tpu.memory_space<hbm>>
      tpu.enqueue_dma source(%dma_start3A_264 : memref<64xf32, #tpu.memory_space<hbm>>) target(%dma_start3A_261 : memref<64xf32, #tpu.memory_space<vmem>>) target_semaphore(%arg14 : memref<!tpu.dma_semaphore, #tpu.memory_space<semaphore_mem>>)
      %mul3A_265 = arith.constant 8 : i32
      %mul3A_266 = arith.muli %scan3A_28, %mul3A_265 : i32
      %add3A_267 = arith.constant 2 : i32
      %add3A_268 = arith.addi %mul3A_266, %add3A_267 : i32
      %slice3A_269 = vector.extract_strided_slice %get3A_62 {offsets = [5], sizes = [1], strides = [1]} : vector<16xi32> to vector<1xi32>
      %squeeze3A_270 = vector.extract %slice3A_269[0] : i32 from vector<1xi32>
      %dma_start3A_271 = arith.constant 64 : i32
      %dma_start3A_272 = tpu.memref_slice %arg9[%add3A_268, %dma_start3A_271] : memref<256x128xf32, #tpu.memory_space<vmem>> -> memref<1x64xf32, #tpu.memory_space<vmem>>
      %dma_start3A_273 = tpu.memref_squeeze %dma_start3A_272 : memref<1x64xf32, #tpu.memory_space<vmem>> -> memref<64xf32, #tpu.memory_space<vmem>>
      %dma_start3A_274 = arith.constant 0 : i32
      %dma_start3A_275 = tpu.memref_slice %arg4[%squeeze3A_270, %dma_start3A_274] : memref<1000000x64xf32, #tpu.memory_space<hbm>> -> memref<1x64xf32, #tpu.memory_space<hbm>>
      %dma_start3A_276 = tpu.memref_squeeze %dma_start3A_275 : memref<1x64xf32, #tpu.memory_space<hbm>> -> memref<64xf32, #tpu.memory_space<hbm>>
      %dma_start3A_277 = arith.constant 64 : i32
      %dma_start3A_278 = tpu.memref_slice %arg9[%add3A_268, %dma_start3A_277] : memref<256x128xf32, #tpu.memory_space<vmem>> -> memref<1x64xf32, #tpu.memory_space<vmem>>
      %dma_start3A_279 = tpu.memref_squeeze %dma_start3A_278 : memref<1x64xf32, #tpu.memory_space<vmem>> -> memref<64xf32, #tpu.memory_space<vmem>>
      %dma_start3A_280 = arith.constant 0 : i32
      %dma_start3A_281 = tpu.memref_slice %arg4[%squeeze3A_270, %dma_start3A_280] : memref<1000000x64xf32, #tpu.memory_space<hbm>> -> memref<1x64xf32, #tpu.memory_space<hbm>>
      %dma_start3A_282 = tpu.memref_squeeze %dma_start3A_281 : memref<1x64xf32, #tpu.memory_space<hbm>> -> memref<64xf32, #tpu.memory_space<hbm>>
      tpu.enqueue_dma source(%dma_start3A_282 : memref<64xf32, #tpu.memory_space<hbm>>) target(%dma_start3A_279 : memref<64xf32, #tpu.memory_space<vmem>>) target_semaphore(%arg13 : memref<!tpu.dma_semaphore, #tpu.memory_space<semaphore_mem>>)
      %slice3A_283 = vector.extract_strided_slice %get3A_107 {offsets = [5], sizes = [1], strides = [1]} : vector<16xi32> to vector<1xi32>
      %squeeze3A_284 = vector.extract %slice3A_283[0] : i32 from vector<1xi32>
      %dma_start3A_285 = arith.constant 64 : i32
      %dma_start3A_286 = tpu.memref_slice %arg10[%add3A_268, %dma_start3A_285] : memref<256x128xf32, #tpu.memory_space<vmem>> -> memref<1x64xf32, #tpu.memory_space<vmem>>
      %dma_start3A_287 = tpu.memref_squeeze %dma_start3A_286 : memref<1x64xf32, #tpu.memory_space<vmem>> -> memref<64xf32, #tpu.memory_space<vmem>>
      %dma_start3A_288 = arith.constant 0 : i32
      %dma_start3A_289 = tpu.memref_slice %arg5[%squeeze3A_284, %dma_start3A_288] : memref<1000000x64xf32, #tpu.memory_space<hbm>> -> memref<1x64xf32, #tpu.memory_space<hbm>>
      %dma_start3A_290 = tpu.memref_squeeze %dma_start3A_289 : memref<1x64xf32, #tpu.memory_space<hbm>> -> memref<64xf32, #tpu.memory_space<hbm>>
      %dma_start3A_291 = arith.constant 64 : i32
      %dma_start3A_292 = tpu.memref_slice %arg10[%add3A_268, %dma_start3A_291] : memref<256x128xf32, #tpu.memory_space<vmem>> -> memref<1x64xf32, #tpu.memory_space<vmem>>
      %dma_start3A_293 = tpu.memref_squeeze %dma_start3A_292 : memref<1x64xf32, #tpu.memory_space<vmem>> -> memref<64xf32, #tpu.memory_space<vmem>>
      %dma_start3A_294 = arith.constant 0 : i32
      %dma_start3A_295 = tpu.memref_slice %arg5[%squeeze3A_284, %dma_start3A_294] : memref<1000000x64xf32, #tpu.memory_space<hbm>> -> memref<1x64xf32, #tpu.memory_space<hbm>>
      %dma_start3A_296 = tpu.memref_squeeze %dma_start3A_295 : memref<1x64xf32, #tpu.memory_space<hbm>> -> memref<64xf32, #tpu.memory_space<hbm>>
      tpu.enqueue_dma source(%dma_start3A_296 : memref<64xf32, #tpu.memory_space<hbm>>) target(%dma_start3A_293 : memref<64xf32, #tpu.memory_space<vmem>>) target_semaphore(%arg14 : memref<!tpu.dma_semaphore, #tpu.memory_space<semaphore_mem>>)
      %mul3A_297 = arith.constant 8 : i32
      %mul3A_298 = arith.muli %scan3A_28, %mul3A_297 : i32
      %add3A_299 = arith.constant 3 : i32
      %add3A_300 = arith.addi %mul3A_298, %add3A_299 : i32
      %slice3A_301 = vector.extract_strided_slice %get3A_62 {offsets = [6], sizes = [1], strides = [1]} : vector<16xi32> to vector<1xi32>
      %squeeze3A_302 = vector.extract %slice3A_301[0] : i32 from vector<1xi32>
      %dma_start3A_303 = arith.constant 0 : i32
      %dma_start3A_304 = tpu.memref_slice %arg9[%add3A_300, %dma_start3A_303] : memref<256x128xf32, #tpu.memory_space<vmem>> -> memref<1x64xf32, #tpu.memory_space<vmem>>
      %dma_start3A_305 = tpu.memref_squeeze %dma_start3A_304 : memref<1x64xf32, #tpu.memory_space<vmem>> -> memref<64xf32, #tpu.memory_space<vmem>>
      %dma_start3A_306 = arith.constant 0 : i32
      %dma_start3A_307 = tpu.memref_slice %arg4[%squeeze3A_302, %dma_start3A_306] : memref<1000000x64xf32, #tpu.memory_space<hbm>> -> memref<1x64xf32, #tpu.memory_space<hbm>>
      %dma_start3A_308 = tpu.memref_squeeze %dma_start3A_307 : memref<1x64xf32, #tpu.memory_space<hbm>> -> memref<64xf32, #tpu.memory_space<hbm>>
      %dma_start3A_309 = arith.constant 0 : i32
      %dma_start3A_310 = tpu.memref_slice %arg9[%add3A_300, %dma_start3A_309] : memref<256x128xf32, #tpu.memory_space<vmem>> -> memref<1x64xf32, #tpu.memory_space<vmem>>
      %dma_start3A_311 = tpu.memref_squeeze %dma_start3A_310 : memref<1x64xf32, #tpu.memory_space<vmem>> -> memref<64xf32, #tpu.memory_space<vmem>>
      %dma_start3A_312 = arith.constant 0 : i32
      %dma_start3A_313 = tpu.memref_slice %arg4[%squeeze3A_302, %dma_start3A_312] : memref<1000000x64xf32, #tpu.memory_space<hbm>> -> memref<1x64xf32, #tpu.memory_space<hbm>>
      %dma_start3A_314 = tpu.memref_squeeze %dma_start3A_313 : memref<1x64xf32, #tpu.memory_space<hbm>> -> memref<64xf32, #tpu.memory_space<hbm>>
      tpu.enqueue_dma source(%dma_start3A_314 : memref<64xf32, #tpu.memory_space<hbm>>) target(%dma_start3A_311 : memref<64xf32, #tpu.memory_space<vmem>>) target_semaphore(%arg13 : memref<!tpu.dma_semaphore, #tpu.memory_space<semaphore_mem>>)
      %slice3A_315 = vector.extract_strided_slice %get3A_107 {offsets = [6], sizes = [1], strides = [1]} : vector<16xi32> to vector<1xi32>
      %squeeze3A_316 = vector.extract %slice3A_315[0] : i32 from vector<1xi32>
      %dma_start3A_317 = arith.constant 0 : i32
      %dma_start3A_318 = tpu.memref_slice %arg10[%add3A_300, %dma_start3A_317] : memref<256x128xf32, #tpu.memory_space<vmem>> -> memref<1x64xf32, #tpu.memory_space<vmem>>
      %dma_start3A_319 = tpu.memref_squeeze %dma_start3A_318 : memref<1x64xf32, #tpu.memory_space<vmem>> -> memref<64xf32, #tpu.memory_space<vmem>>
      %dma_start3A_320 = arith.constant 0 : i32
      %dma_start3A_321 = tpu.memref_slice %arg5[%squeeze3A_316, %dma_start3A_320] : memref<1000000x64xf32, #tpu.memory_space<hbm>> -> memref<1x64xf32, #tpu.memory_space<hbm>>
      %dma_start3A_322 = tpu.memref_squeeze %dma_start3A_321 : memref<1x64xf32, #tpu.memory_space<hbm>> -> memref<64xf32, #tpu.memory_space<hbm>>
      %dma_start3A_323 = arith.constant 0 : i32
      %dma_start3A_324 = tpu.memref_slice %arg10[%add3A_300, %dma_start3A_323] : memref<256x128xf32, #tpu.memory_space<vmem>> -> memref<1x64xf32, #tpu.memory_space<vmem>>
      %dma_start3A_325 = tpu.memref_squeeze %dma_start3A_324 : memref<1x64xf32, #tpu.memory_space<vmem>> -> memref<64xf32, #tpu.memory_space<vmem>>
      %dma_start3A_326 = arith.constant 0 : i32
      %dma_start3A_327 = tpu.memref_slice %arg5[%squeeze3A_316, %dma_start3A_326] : memref<1000000x64xf32, #tpu.memory_space<hbm>> -> memref<1x64xf32, #tpu.memory_space<hbm>>
      %dma_start3A_328 = tpu.memref_squeeze %dma_start3A_327 : memref<1x64xf32, #tpu.memory_space<hbm>> -> memref<64xf32, #tpu.memory_space<hbm>>
      tpu.enqueue_dma source(%dma_start3A_328 : memref<64xf32, #tpu.memory_space<hbm>>) target(%dma_start3A_325 : memref<64xf32, #tpu.memory_space<vmem>>) target_semaphore(%arg14 : memref<!tpu.dma_semaphore, #tpu.memory_space<semaphore_mem>>)
      %mul3A_329 = arith.constant 8 : i32
      %mul3A_330 = arith.muli %scan3A_28, %mul3A_329 : i32
      %add3A_331 = arith.constant 3 : i32
      %add3A_332 = arith.addi %mul3A_330, %add3A_331 : i32
      %slice3A_333 = vector.extract_strided_slice %get3A_62 {offsets = [7], sizes = [1], strides = [1]} : vector<16xi32> to vector<1xi32>
      %squeeze3A_334 = vector.extract %slice3A_333[0] : i32 from vector<1xi32>
      %dma_start3A_335 = arith.constant 64 : i32
      %dma_start3A_336 = tpu.memref_slice %arg9[%add3A_332, %dma_start3A_335] : memref<256x128xf32, #tpu.memory_space<vmem>> -> memref<1x64xf32, #tpu.memory_space<vmem>>
      %dma_start3A_337 = tpu.memref_squeeze %dma_start3A_336 : memref<1x64xf32, #tpu.memory_space<vmem>> -> memref<64xf32, #tpu.memory_space<vmem>>
      %dma_start3A_338 = arith.constant 0 : i32
      %dma_start3A_339 = tpu.memref_slice %arg4[%squeeze3A_334, %dma_start3A_338] : memref<1000000x64xf32, #tpu.memory_space<hbm>> -> memref<1x64xf32, #tpu.memory_space<hbm>>
      %dma_start3A_340 = tpu.memref_squeeze %dma_start3A_339 : memref<1x64xf32, #tpu.memory_space<hbm>> -> memref<64xf32, #tpu.memory_space<hbm>>
      %dma_start3A_341 = arith.constant 64 : i32
      %dma_start3A_342 = tpu.memref_slice %arg9[%add3A_332, %dma_start3A_341] : memref<256x128xf32, #tpu.memory_space<vmem>> -> memref<1x64xf32, #tpu.memory_space<vmem>>
      %dma_start3A_343 = tpu.memref_squeeze %dma_start3A_342 : memref<1x64xf32, #tpu.memory_space<vmem>> -> memref<64xf32, #tpu.memory_space<vmem>>
      %dma_start3A_344 = arith.constant 0 : i32
      %dma_start3A_345 = tpu.memref_slice %arg4[%squeeze3A_334, %dma_start3A_344] : memref<1000000x64xf32, #tpu.memory_space<hbm>> -> memref<1x64xf32, #tpu.memory_space<hbm>>
      %dma_start3A_346 = tpu.memref_squeeze %dma_start3A_345 : memref<1x64xf32, #tpu.memory_space<hbm>> -> memref<64xf32, #tpu.memory_space<hbm>>
      tpu.enqueue_dma source(%dma_start3A_346 : memref<64xf32, #tpu.memory_space<hbm>>) target(%dma_start3A_343 : memref<64xf32, #tpu.memory_space<vmem>>) target_semaphore(%arg13 : memref<!tpu.dma_semaphore, #tpu.memory_space<semaphore_mem>>)
      %slice3A_347 = vector.extract_strided_slice %get3A_107 {offsets = [7], sizes = [1], strides = [1]} : vector<16xi32> to vector<1xi32>
      %squeeze3A_348 = vector.extract %slice3A_347[0] : i32 from vector<1xi32>
      %dma_start3A_349 = arith.constant 64 : i32
      %dma_start3A_350 = tpu.memref_slice %arg10[%add3A_332, %dma_start3A_349] : memref<256x128xf32, #tpu.memory_space<vmem>> -> memref<1x64xf32, #tpu.memory_space<vmem>>
      %dma_start3A_351 = tpu.memref_squeeze %dma_start3A_350 : memref<1x64xf32, #tpu.memory_space<vmem>> -> memref<64xf32, #tpu.memory_space<vmem>>
      %dma_start3A_352 = arith.constant 0 : i32
      %dma_start3A_353 = tpu.memref_slice %arg5[%squeeze3A_348, %dma_start3A_352] : memref<1000000x64xf32, #tpu.memory_space<hbm>> -> memref<1x64xf32, #tpu.memory_space<hbm>>
      %dma_start3A_354 = tpu.memref_squeeze %dma_start3A_353 : memref<1x64xf32, #tpu.memory_space<hbm>> -> memref<64xf32, #tpu.memory_space<hbm>>
      %dma_start3A_355 = arith.constant 64 : i32
      %dma_start3A_356 = tpu.memref_slice %arg10[%add3A_332, %dma_start3A_355] : memref<256x128xf32, #tpu.memory_space<vmem>> -> memref<1x64xf32, #tpu.memory_space<vmem>>
      %dma_start3A_357 = tpu.memref_squeeze %dma_start3A_356 : memref<1x64xf32, #tpu.memory_space<vmem>> -> memref<64xf32, #tpu.memory_space<vmem>>
      %dma_start3A_358 = arith.constant 0 : i32
      %dma_start3A_359 = tpu.memref_slice %arg5[%squeeze3A_348, %dma_start3A_358] : memref<1000000x64xf32, #tpu.memory_space<hbm>> -> memref<1x64xf32, #tpu.memory_space<hbm>>
      %dma_start3A_360 = tpu.memref_squeeze %dma_start3A_359 : memref<1x64xf32, #tpu.memory_space<hbm>> -> memref<64xf32, #tpu.memory_space<hbm>>
      tpu.enqueue_dma source(%dma_start3A_360 : memref<64xf32, #tpu.memory_space<hbm>>) target(%dma_start3A_357 : memref<64xf32, #tpu.memory_space<vmem>>) target_semaphore(%arg14 : memref<!tpu.dma_semaphore, #tpu.memory_space<semaphore_mem>>)
      %mul3A_361 = arith.constant 8 : i32
      %mul3A_362 = arith.muli %scan3A_28, %mul3A_361 : i32
      %add3A_363 = arith.constant 4 : i32
      %add3A_364 = arith.addi %mul3A_362, %add3A_363 : i32
      %slice3A_365 = vector.extract_strided_slice %get3A_62 {offsets = [8], sizes = [1], strides = [1]} : vector<16xi32> to vector<1xi32>
      %squeeze3A_366 = vector.extract %slice3A_365[0] : i32 from vector<1xi32>
      %dma_start3A_367 = arith.constant 0 : i32
      %dma_start3A_368 = tpu.memref_slice %arg9[%add3A_364, %dma_start3A_367] : memref<256x128xf32, #tpu.memory_space<vmem>> -> memref<1x64xf32, #tpu.memory_space<vmem>>
      %dma_start3A_369 = tpu.memref_squeeze %dma_start3A_368 : memref<1x64xf32, #tpu.memory_space<vmem>> -> memref<64xf32, #tpu.memory_space<vmem>>
      %dma_start3A_370 = arith.constant 0 : i32
      %dma_start3A_371 = tpu.memref_slice %arg4[%squeeze3A_366, %dma_start3A_370] : memref<1000000x64xf32, #tpu.memory_space<hbm>> -> memref<1x64xf32, #tpu.memory_space<hbm>>
      %dma_start3A_372 = tpu.memref_squeeze %dma_start3A_371 : memref<1x64xf32, #tpu.memory_space<hbm>> -> memref<64xf32, #tpu.memory_space<hbm>>
      %dma_start3A_373 = arith.constant 0 : i32
      %dma_start3A_374 = tpu.memref_slice %arg9[%add3A_364, %dma_start3A_373] : memref<256x128xf32, #tpu.memory_space<vmem>> -> memref<1x64xf32, #tpu.memory_space<vmem>>
      %dma_start3A_375 = tpu.memref_squeeze %dma_start3A_374 : memref<1x64xf32, #tpu.memory_space<vmem>> -> memref<64xf32, #tpu.memory_space<vmem>>
      %dma_start3A_376 = arith.constant 0 : i32
      %dma_start3A_377 = tpu.memref_slice %arg4[%squeeze3A_366, %dma_start3A_376] : memref<1000000x64xf32, #tpu.memory_space<hbm>> -> memref<1x64xf32, #tpu.memory_space<hbm>>
      %dma_start3A_378 = tpu.memref_squeeze %dma_start3A_377 : memref<1x64xf32, #tpu.memory_space<hbm>> -> memref<64xf32, #tpu.memory_space<hbm>>
      tpu.enqueue_dma source(%dma_start3A_378 : memref<64xf32, #tpu.memory_space<hbm>>) target(%dma_start3A_375 : memref<64xf32, #tpu.memory_space<vmem>>) target_semaphore(%arg13 : memref<!tpu.dma_semaphore, #tpu.memory_space<semaphore_mem>>)
      %slice3A_379 = vector.extract_strided_slice %get3A_107 {offsets = [8], sizes = [1], strides = [1]} : vector<16xi32> to vector<1xi32>
      %squeeze3A_380 = vector.extract %slice3A_379[0] : i32 from vector<1xi32>
      %dma_start3A_381 = arith.constant 0 : i32
      %dma_start3A_382 = tpu.memref_slice %arg10[%add3A_364, %dma_start3A_381] : memref<256x128xf32, #tpu.memory_space<vmem>> -> memref<1x64xf32, #tpu.memory_space<vmem>>
      %dma_start3A_383 = tpu.memref_squeeze %dma_start3A_382 : memref<1x64xf32, #tpu.memory_space<vmem>> -> memref<64xf32, #tpu.memory_space<vmem>>
      %dma_start3A_384 = arith.constant 0 : i32
      %dma_start3A_385 = tpu.memref_slice %arg5[%squeeze3A_380, %dma_start3A_384] : memref<1000000x64xf32, #tpu.memory_space<hbm>> -> memref<1x64xf32, #tpu.memory_space<hbm>>
      %dma_start3A_386 = tpu.memref_squeeze %dma_start3A_385 : memref<1x64xf32, #tpu.memory_space<hbm>> -> memref<64xf32, #tpu.memory_space<hbm>>
      %dma_start3A_387 = arith.constant 0 : i32
      %dma_start3A_388 = tpu.memref_slice %arg10[%add3A_364, %dma_start3A_387] : memref<256x128xf32, #tpu.memory_space<vmem>> -> memref<1x64xf32, #tpu.memory_space<vmem>>
      %dma_start3A_389 = tpu.memref_squeeze %dma_start3A_388 : memref<1x64xf32, #tpu.memory_space<vmem>> -> memref<64xf32, #tpu.memory_space<vmem>>
      %dma_start3A_390 = arith.constant 0 : i32
      %dma_start3A_391 = tpu.memref_slice %arg5[%squeeze3A_380, %dma_start3A_390] : memref<1000000x64xf32, #tpu.memory_space<hbm>> -> memref<1x64xf32, #tpu.memory_space<hbm>>
      %dma_start3A_392 = tpu.memref_squeeze %dma_start3A_391 : memref<1x64xf32, #tpu.memory_space<hbm>> -> memref<64xf32, #tpu.memory_space<hbm>>
      tpu.enqueue_dma source(%dma_start3A_392 : memref<64xf32, #tpu.memory_space<hbm>>) target(%dma_start3A_389 : memref<64xf32, #tpu.memory_space<vmem>>) target_semaphore(%arg14 : memref<!tpu.dma_semaphore, #tpu.memory_space<semaphore_mem>>)
      %mul3A_393 = arith.constant 8 : i32
      %mul3A_394 = arith.muli %scan3A_28, %mul3A_393 : i32
      %add3A_395 = arith.constant 4 : i32
      %add3A_396 = arith.addi %mul3A_394, %add3A_395 : i32
      %slice3A_397 = vector.extract_strided_slice %get3A_62 {offsets = [9], sizes = [1], strides = [1]} : vector<16xi32> to vector<1xi32>
      %squeeze3A_398 = vector.extract %slice3A_397[0] : i32 from vector<1xi32>
      %dma_start3A_399 = arith.constant 64 : i32
      %dma_start3A_400 = tpu.memref_slice %arg9[%add3A_396, %dma_start3A_399] : memref<256x128xf32, #tpu.memory_space<vmem>> -> memref<1x64xf32, #tpu.memory_space<vmem>>
      %dma_start3A_401 = tpu.memref_squeeze %dma_start3A_400 : memref<1x64xf32, #tpu.memory_space<vmem>> -> memref<64xf32, #tpu.memory_space<vmem>>
      %dma_start3A_402 = arith.constant 0 : i32
      %dma_start3A_403 = tpu.memref_slice %arg4[%squeeze3A_398, %dma_start3A_402] : memref<1000000x64xf32, #tpu.memory_space<hbm>> -> memref<1x64xf32, #tpu.memory_space<hbm>>
      %dma_start3A_404 = tpu.memref_squeeze %dma_start3A_403 : memref<1x64xf32, #tpu.memory_space<hbm>> -> memref<64xf32, #tpu.memory_space<hbm>>
      %dma_start3A_405 = arith.constant 64 : i32
      %dma_start3A_406 = tpu.memref_slice %arg9[%add3A_396, %dma_start3A_405] : memref<256x128xf32, #tpu.memory_space<vmem>> -> memref<1x64xf32, #tpu.memory_space<vmem>>
      %dma_start3A_407 = tpu.memref_squeeze %dma_start3A_406 : memref<1x64xf32, #tpu.memory_space<vmem>> -> memref<64xf32, #tpu.memory_space<vmem>>
      %dma_start3A_408 = arith.constant 0 : i32
      %dma_start3A_409 = tpu.memref_slice %arg4[%squeeze3A_398, %dma_start3A_408] : memref<1000000x64xf32, #tpu.memory_space<hbm>> -> memref<1x64xf32, #tpu.memory_space<hbm>>
      %dma_start3A_410 = tpu.memref_squeeze %dma_start3A_409 : memref<1x64xf32, #tpu.memory_space<hbm>> -> memref<64xf32, #tpu.memory_space<hbm>>
      tpu.enqueue_dma source(%dma_start3A_410 : memref<64xf32, #tpu.memory_space<hbm>>) target(%dma_start3A_407 : memref<64xf32, #tpu.memory_space<vmem>>) target_semaphore(%arg13 : memref<!tpu.dma_semaphore, #tpu.memory_space<semaphore_mem>>)
      %slice3A_411 = vector.extract_strided_slice %get3A_107 {offsets = [9], sizes = [1], strides = [1]} : vector<16xi32> to vector<1xi32>
      %squeeze3A_412 = vector.extract %slice3A_411[0] : i32 from vector<1xi32>
      %dma_start3A_413 = arith.constant 64 : i32
      %dma_start3A_414 = tpu.memref_slice %arg10[%add3A_396, %dma_start3A_413] : memref<256x128xf32, #tpu.memory_space<vmem>> -> memref<1x64xf32, #tpu.memory_space<vmem>>
      %dma_start3A_415 = tpu.memref_squeeze %dma_start3A_414 : memref<1x64xf32, #tpu.memory_space<vmem>> -> memref<64xf32, #tpu.memory_space<vmem>>
      %dma_start3A_416 = arith.constant 0 : i32
      %dma_start3A_417 = tpu.memref_slice %arg5[%squeeze3A_412, %dma_start3A_416] : memref<1000000x64xf32, #tpu.memory_space<hbm>> -> memref<1x64xf32, #tpu.memory_space<hbm>>
      %dma_start3A_418 = tpu.memref_squeeze %dma_start3A_417 : memref<1x64xf32, #tpu.memory_space<hbm>> -> memref<64xf32, #tpu.memory_space<hbm>>
      %dma_start3A_419 = arith.constant 64 : i32
      %dma_start3A_420 = tpu.memref_slice %arg10[%add3A_396, %dma_start3A_419] : memref<256x128xf32, #tpu.memory_space<vmem>> -> memref<1x64xf32, #tpu.memory_space<vmem>>
      %dma_start3A_421 = tpu.memref_squeeze %dma_start3A_420 : memref<1x64xf32, #tpu.memory_space<vmem>> -> memref<64xf32, #tpu.memory_space<vmem>>
      %dma_start3A_422 = arith.constant 0 : i32
      %dma_start3A_423 = tpu.memref_slice %arg5[%squeeze3A_412, %dma_start3A_422] : memref<1000000x64xf32, #tpu.memory_space<hbm>> -> memref<1x64xf32, #tpu.memory_space<hbm>>
      %dma_start3A_424 = tpu.memref_squeeze %dma_start3A_423 : memref<1x64xf32, #tpu.memory_space<hbm>> -> memref<64xf32, #tpu.memory_space<hbm>>
      tpu.enqueue_dma source(%dma_start3A_424 : memref<64xf32, #tpu.memory_space<hbm>>) target(%dma_start3A_421 : memref<64xf32, #tpu.memory_space<vmem>>) target_semaphore(%arg14 : memref<!tpu.dma_semaphore, #tpu.memory_space<semaphore_mem>>)
      %mul3A_425 = arith.constant 8 : i32
      %mul3A_426 = arith.muli %scan3A_28, %mul3A_425 : i32
      %add3A_427 = arith.constant 5 : i32
      %add3A_428 = arith.addi %mul3A_426, %add3A_427 : i32
      %slice3A_429 = vector.extract_strided_slice %get3A_62 {offsets = [10], sizes = [1], strides = [1]} : vector<16xi32> to vector<1xi32>
      %squeeze3A_430 = vector.extract %slice3A_429[0] : i32 from vector<1xi32>
      %dma_start3A_431 = arith.constant 0 : i32
      %dma_start3A_432 = tpu.memref_slice %arg9[%add3A_428, %dma_start3A_431] : memref<256x128xf32, #tpu.memory_space<vmem>> -> memref<1x64xf32, #tpu.memory_space<vmem>>
      %dma_start3A_433 = tpu.memref_squeeze %dma_start3A_432 : memref<1x64xf32, #tpu.memory_space<vmem>> -> memref<64xf32, #tpu.memory_space<vmem>>
      %dma_start3A_434 = arith.constant 0 : i32
      %dma_start3A_435 = tpu.memref_slice %arg4[%squeeze3A_430, %dma_start3A_434] : memref<1000000x64xf32, #tpu.memory_space<hbm>> -> memref<1x64xf32, #tpu.memory_space<hbm>>
      %dma_start3A_436 = tpu.memref_squeeze %dma_start3A_435 : memref<1x64xf32, #tpu.memory_space<hbm>> -> memref<64xf32, #tpu.memory_space<hbm>>
      %dma_start3A_437 = arith.constant 0 : i32
      %dma_start3A_438 = tpu.memref_slice %arg9[%add3A_428, %dma_start3A_437] : memref<256x128xf32, #tpu.memory_space<vmem>> -> memref<1x64xf32, #tpu.memory_space<vmem>>
      %dma_start3A_439 = tpu.memref_squeeze %dma_start3A_438 : memref<1x64xf32, #tpu.memory_space<vmem>> -> memref<64xf32, #tpu.memory_space<vmem>>
      %dma_start3A_440 = arith.constant 0 : i32
      %dma_start3A_441 = tpu.memref_slice %arg4[%squeeze3A_430, %dma_start3A_440] : memref<1000000x64xf32, #tpu.memory_space<hbm>> -> memref<1x64xf32, #tpu.memory_space<hbm>>
      %dma_start3A_442 = tpu.memref_squeeze %dma_start3A_441 : memref<1x64xf32, #tpu.memory_space<hbm>> -> memref<64xf32, #tpu.memory_space<hbm>>
      tpu.enqueue_dma source(%dma_start3A_442 : memref<64xf32, #tpu.memory_space<hbm>>) target(%dma_start3A_439 : memref<64xf32, #tpu.memory_space<vmem>>) target_semaphore(%arg13 : memref<!tpu.dma_semaphore, #tpu.memory_space<semaphore_mem>>)
      %slice3A_443 = vector.extract_strided_slice %get3A_107 {offsets = [10], sizes = [1], strides = [1]} : vector<16xi32> to vector<1xi32>
      %squeeze3A_444 = vector.extract %slice3A_443[0] : i32 from vector<1xi32>
      %dma_start3A_445 = arith.constant 0 : i32
      %dma_start3A_446 = tpu.memref_slice %arg10[%add3A_428, %dma_start3A_445] : memref<256x128xf32, #tpu.memory_space<vmem>> -> memref<1x64xf32, #tpu.memory_space<vmem>>
      %dma_start3A_447 = tpu.memref_squeeze %dma_start3A_446 : memref<1x64xf32, #tpu.memory_space<vmem>> -> memref<64xf32, #tpu.memory_space<vmem>>
      %dma_start3A_448 = arith.constant 0 : i32
      %dma_start3A_449 = tpu.memref_slice %arg5[%squeeze3A_444, %dma_start3A_448] : memref<1000000x64xf32, #tpu.memory_space<hbm>> -> memref<1x64xf32, #tpu.memory_space<hbm>>
      %dma_start3A_450 = tpu.memref_squeeze %dma_start3A_449 : memref<1x64xf32, #tpu.memory_space<hbm>> -> memref<64xf32, #tpu.memory_space<hbm>>
      %dma_start3A_451 = arith.constant 0 : i32
      %dma_start3A_452 = tpu.memref_slice %arg10[%add3A_428, %dma_start3A_451] : memref<256x128xf32, #tpu.memory_space<vmem>> -> memref<1x64xf32, #tpu.memory_space<vmem>>
      %dma_start3A_453 = tpu.memref_squeeze %dma_start3A_452 : memref<1x64xf32, #tpu.memory_space<vmem>> -> memref<64xf32, #tpu.memory_space<vmem>>
      %dma_start3A_454 = arith.constant 0 : i32
      %dma_start3A_455 = tpu.memref_slice %arg5[%squeeze3A_444, %dma_start3A_454] : memref<1000000x64xf32, #tpu.memory_space<hbm>> -> memref<1x64xf32, #tpu.memory_space<hbm>>
      %dma_start3A_456 = tpu.memref_squeeze %dma_start3A_455 : memref<1x64xf32, #tpu.memory_space<hbm>> -> memref<64xf32, #tpu.memory_space<hbm>>
      tpu.enqueue_dma source(%dma_start3A_456 : memref<64xf32, #tpu.memory_space<hbm>>) target(%dma_start3A_453 : memref<64xf32, #tpu.memory_space<vmem>>) target_semaphore(%arg14 : memref<!tpu.dma_semaphore, #tpu.memory_space<semaphore_mem>>)
      %mul3A_457 = arith.constant 8 : i32
      %mul3A_458 = arith.muli %scan3A_28, %mul3A_457 : i32
      %add3A_459 = arith.constant 5 : i32
      %add3A_460 = arith.addi %mul3A_458, %add3A_459 : i32
      %slice3A_461 = vector.extract_strided_slice %get3A_62 {offsets = [11], sizes = [1], strides = [1]} : vector<16xi32> to vector<1xi32>
      %squeeze3A_462 = vector.extract %slice3A_461[0] : i32 from vector<1xi32>
      %dma_start3A_463 = arith.constant 64 : i32
      %dma_start3A_464 = tpu.memref_slice %arg9[%add3A_460, %dma_start3A_463] : memref<256x128xf32, #tpu.memory_space<vmem>> -> memref<1x64xf32, #tpu.memory_space<vmem>>
      %dma_start3A_465 = tpu.memref_squeeze %dma_start3A_464 : memref<1x64xf32, #tpu.memory_space<vmem>> -> memref<64xf32, #tpu.memory_space<vmem>>
      %dma_start3A_466 = arith.constant 0 : i32
      %dma_start3A_467 = tpu.memref_slice %arg4[%squeeze3A_462, %dma_start3A_466] : memref<1000000x64xf32, #tpu.memory_space<hbm>> -> memref<1x64xf32, #tpu.memory_space<hbm>>
      %dma_start3A_468 = tpu.memref_squeeze %dma_start3A_467 : memref<1x64xf32, #tpu.memory_space<hbm>> -> memref<64xf32, #tpu.memory_space<hbm>>
      %dma_start3A_469 = arith.constant 64 : i32
      %dma_start3A_470 = tpu.memref_slice %arg9[%add3A_460, %dma_start3A_469] : memref<256x128xf32, #tpu.memory_space<vmem>> -> memref<1x64xf32, #tpu.memory_space<vmem>>
      %dma_start3A_471 = tpu.memref_squeeze %dma_start3A_470 : memref<1x64xf32, #tpu.memory_space<vmem>> -> memref<64xf32, #tpu.memory_space<vmem>>
      %dma_start3A_472 = arith.constant 0 : i32
      %dma_start3A_473 = tpu.memref_slice %arg4[%squeeze3A_462, %dma_start3A_472] : memref<1000000x64xf32, #tpu.memory_space<hbm>> -> memref<1x64xf32, #tpu.memory_space<hbm>>
      %dma_start3A_474 = tpu.memref_squeeze %dma_start3A_473 : memref<1x64xf32, #tpu.memory_space<hbm>> -> memref<64xf32, #tpu.memory_space<hbm>>
      tpu.enqueue_dma source(%dma_start3A_474 : memref<64xf32, #tpu.memory_space<hbm>>) target(%dma_start3A_471 : memref<64xf32, #tpu.memory_space<vmem>>) target_semaphore(%arg13 : memref<!tpu.dma_semaphore, #tpu.memory_space<semaphore_mem>>)
      %slice3A_475 = vector.extract_strided_slice %get3A_107 {offsets = [11], sizes = [1], strides = [1]} : vector<16xi32> to vector<1xi32>
      %squeeze3A_476 = vector.extract %slice3A_475[0] : i32 from vector<1xi32>
      %dma_start3A_477 = arith.constant 64 : i32
      %dma_start3A_478 = tpu.memref_slice %arg10[%add3A_460, %dma_start3A_477] : memref<256x128xf32, #tpu.memory_space<vmem>> -> memref<1x64xf32, #tpu.memory_space<vmem>>
      %dma_start3A_479 = tpu.memref_squeeze %dma_start3A_478 : memref<1x64xf32, #tpu.memory_space<vmem>> -> memref<64xf32, #tpu.memory_space<vmem>>
      %dma_start3A_480 = arith.constant 0 : i32
      %dma_start3A_481 = tpu.memref_slice %arg5[%squeeze3A_476, %dma_start3A_480] : memref<1000000x64xf32, #tpu.memory_space<hbm>> -> memref<1x64xf32, #tpu.memory_space<hbm>>
      %dma_start3A_482 = tpu.memref_squeeze %dma_start3A_481 : memref<1x64xf32, #tpu.memory_space<hbm>> -> memref<64xf32, #tpu.memory_space<hbm>>
      %dma_start3A_483 = arith.constant 64 : i32
      %dma_start3A_484 = tpu.memref_slice %arg10[%add3A_460, %dma_start3A_483] : memref<256x128xf32, #tpu.memory_space<vmem>> -> memref<1x64xf32, #tpu.memory_space<vmem>>
      %dma_start3A_485 = tpu.memref_squeeze %dma_start3A_484 : memref<1x64xf32, #tpu.memory_space<vmem>> -> memref<64xf32, #tpu.memory_space<vmem>>
      %dma_start3A_486 = arith.constant 0 : i32
      %dma_start3A_487 = tpu.memref_slice %arg5[%squeeze3A_476, %dma_start3A_486] : memref<1000000x64xf32, #tpu.memory_space<hbm>> -> memref<1x64xf32, #tpu.memory_space<hbm>>
      %dma_start3A_488 = tpu.memref_squeeze %dma_start3A_487 : memref<1x64xf32, #tpu.memory_space<hbm>> -> memref<64xf32, #tpu.memory_space<hbm>>
      tpu.enqueue_dma source(%dma_start3A_488 : memref<64xf32, #tpu.memory_space<hbm>>) target(%dma_start3A_485 : memref<64xf32, #tpu.memory_space<vmem>>) target_semaphore(%arg14 : memref<!tpu.dma_semaphore, #tpu.memory_space<semaphore_mem>>)
      %mul3A_489 = arith.constant 8 : i32
      %mul3A_490 = arith.muli %scan3A_28, %mul3A_489 : i32
      %add3A_491 = arith.constant 6 : i32
      %add3A_492 = arith.addi %mul3A_490, %add3A_491 : i32
      %slice3A_493 = vector.extract_strided_slice %get3A_62 {offsets = [12], sizes = [1], strides = [1]} : vector<16xi32> to vector<1xi32>
      %squeeze3A_494 = vector.extract %slice3A_493[0] : i32 from vector<1xi32>
      %dma_start3A_495 = arith.constant 0 : i32
      %dma_start3A_496 = tpu.memref_slice %arg9[%add3A_492, %dma_start3A_495] : memref<256x128xf32, #tpu.memory_space<vmem>> -> memref<1x64xf32, #tpu.memory_space<vmem>>
      %dma_start3A_497 = tpu.memref_squeeze %dma_start3A_496 : memref<1x64xf32, #tpu.memory_space<vmem>> -> memref<64xf32, #tpu.memory_space<vmem>>
      %dma_start3A_498 = arith.constant 0 : i32
      %dma_start3A_499 = tpu.memref_slice %arg4[%squeeze3A_494, %dma_start3A_498] : memref<1000000x64xf32, #tpu.memory_space<hbm>> -> memref<1x64xf32, #tpu.memory_space<hbm>>
      %dma_start3A_500 = tpu.memref_squeeze %dma_start3A_499 : memref<1x64xf32, #tpu.memory_space<hbm>> -> memref<64xf32, #tpu.memory_space<hbm>>
      %dma_start3A_501 = arith.constant 0 : i32
      %dma_start3A_502 = tpu.memref_slice %arg9[%add3A_492, %dma_start3A_501] : memref<256x128xf32, #tpu.memory_space<vmem>> -> memref<1x64xf32, #tpu.memory_space<vmem>>
      %dma_start3A_503 = tpu.memref_squeeze %dma_start3A_502 : memref<1x64xf32, #tpu.memory_space<vmem>> -> memref<64xf32, #tpu.memory_space<vmem>>
      %dma_start3A_504 = arith.constant 0 : i32
      %dma_start3A_505 = tpu.memref_slice %arg4[%squeeze3A_494, %dma_start3A_504] : memref<1000000x64xf32, #tpu.memory_space<hbm>> -> memref<1x64xf32, #tpu.memory_space<hbm>>
      %dma_start3A_506 = tpu.memref_squeeze %dma_start3A_505 : memref<1x64xf32, #tpu.memory_space<hbm>> -> memref<64xf32, #tpu.memory_space<hbm>>
      tpu.enqueue_dma source(%dma_start3A_506 : memref<64xf32, #tpu.memory_space<hbm>>) target(%dma_start3A_503 : memref<64xf32, #tpu.memory_space<vmem>>) target_semaphore(%arg13 : memref<!tpu.dma_semaphore, #tpu.memory_space<semaphore_mem>>)
      %slice3A_507 = vector.extract_strided_slice %get3A_107 {offsets = [12], sizes = [1], strides = [1]} : vector<16xi32> to vector<1xi32>
      %squeeze3A_508 = vector.extract %slice3A_507[0] : i32 from vector<1xi32>
      %dma_start3A_509 = arith.constant 0 : i32
      %dma_start3A_510 = tpu.memref_slice %arg10[%add3A_492, %dma_start3A_509] : memref<256x128xf32, #tpu.memory_space<vmem>> -> memref<1x64xf32, #tpu.memory_space<vmem>>
      %dma_start3A_511 = tpu.memref_squeeze %dma_start3A_510 : memref<1x64xf32, #tpu.memory_space<vmem>> -> memref<64xf32, #tpu.memory_space<vmem>>
      %dma_start3A_512 = arith.constant 0 : i32
      %dma_start3A_513 = tpu.memref_slice %arg5[%squeeze3A_508, %dma_start3A_512] : memref<1000000x64xf32, #tpu.memory_space<hbm>> -> memref<1x64xf32, #tpu.memory_space<hbm>>
      %dma_start3A_514 = tpu.memref_squeeze %dma_start3A_513 : memref<1x64xf32, #tpu.memory_space<hbm>> -> memref<64xf32, #tpu.memory_space<hbm>>
      %dma_start3A_515 = arith.constant 0 : i32
      %dma_start3A_516 = tpu.memref_slice %arg10[%add3A_492, %dma_start3A_515] : memref<256x128xf32, #tpu.memory_space<vmem>> -> memref<1x64xf32, #tpu.memory_space<vmem>>
      %dma_start3A_517 = tpu.memref_squeeze %dma_start3A_516 : memref<1x64xf32, #tpu.memory_space<vmem>> -> memref<64xf32, #tpu.memory_space<vmem>>
      %dma_start3A_518 = arith.constant 0 : i32
      %dma_start3A_519 = tpu.memref_slice %arg5[%squeeze3A_508, %dma_start3A_518] : memref<1000000x64xf32, #tpu.memory_space<hbm>> -> memref<1x64xf32, #tpu.memory_space<hbm>>
      %dma_start3A_520 = tpu.memref_squeeze %dma_start3A_519 : memref<1x64xf32, #tpu.memory_space<hbm>> -> memref<64xf32, #tpu.memory_space<hbm>>
      tpu.enqueue_dma source(%dma_start3A_520 : memref<64xf32, #tpu.memory_space<hbm>>) target(%dma_start3A_517 : memref<64xf32, #tpu.memory_space<vmem>>) target_semaphore(%arg14 : memref<!tpu.dma_semaphore, #tpu.memory_space<semaphore_mem>>)
      %mul3A_521 = arith.constant 8 : i32
      %mul3A_522 = arith.muli %scan3A_28, %mul3A_521 : i32
      %add3A_523 = arith.constant 6 : i32
      %add3A_524 = arith.addi %mul3A_522, %add3A_523 : i32
      %slice3A_525 = vector.extract_strided_slice %get3A_62 {offsets = [13], sizes = [1], strides = [1]} : vector<16xi32> to vector<1xi32>
      %squeeze3A_526 = vector.extract %slice3A_525[0] : i32 from vector<1xi32>
      %dma_start3A_527 = arith.constant 64 : i32
      %dma_start3A_528 = tpu.memref_slice %arg9[%add3A_524, %dma_start3A_527] : memref<256x128xf32, #tpu.memory_space<vmem>> -> memref<1x64xf32, #tpu.memory_space<vmem>>
      %dma_start3A_529 = tpu.memref_squeeze %dma_start3A_528 : memref<1x64xf32, #tpu.memory_space<vmem>> -> memref<64xf32, #tpu.memory_space<vmem>>
      %dma_start3A_530 = arith.constant 0 : i32
      %dma_start3A_531 = tpu.memref_slice %arg4[%squeeze3A_526, %dma_start3A_530] : memref<1000000x64xf32, #tpu.memory_space<hbm>> -> memref<1x64xf32, #tpu.memory_space<hbm>>
      %dma_start3A_532 = tpu.memref_squeeze %dma_start3A_531 : memref<1x64xf32, #tpu.memory_space<hbm>> -> memref<64xf32, #tpu.memory_space<hbm>>
      %dma_start3A_533 = arith.constant 64 : i32
      %dma_start3A_534 = tpu.memref_slice %arg9[%add3A_524, %dma_start3A_533] : memref<256x128xf32, #tpu.memory_space<vmem>> -> memref<1x64xf32, #tpu.memory_space<vmem>>
      %dma_start3A_535 = tpu.memref_squeeze %dma_start3A_534 : memref<1x64xf32, #tpu.memory_space<vmem>> -> memref<64xf32, #tpu.memory_space<vmem>>
      %dma_start3A_536 = arith.constant 0 : i32
      %dma_start3A_537 = tpu.memref_slice %arg4[%squeeze3A_526, %dma_start3A_536] : memref<1000000x64xf32, #tpu.memory_space<hbm>> -> memref<1x64xf32, #tpu.memory_space<hbm>>
      %dma_start3A_538 = tpu.memref_squeeze %dma_start3A_537 : memref<1x64xf32, #tpu.memory_space<hbm>> -> memref<64xf32, #tpu.memory_space<hbm>>
      tpu.enqueue_dma source(%dma_start3A_538 : memref<64xf32, #tpu.memory_space<hbm>>) target(%dma_start3A_535 : memref<64xf32, #tpu.memory_space<vmem>>) target_semaphore(%arg13 : memref<!tpu.dma_semaphore, #tpu.memory_space<semaphore_mem>>)
      %slice3A_539 = vector.extract_strided_slice %get3A_107 {offsets = [13], sizes = [1], strides = [1]} : vector<16xi32> to vector<1xi32>
      %squeeze3A_540 = vector.extract %slice3A_539[0] : i32 from vector<1xi32>
      %dma_start3A_541 = arith.constant 64 : i32
      %dma_start3A_542 = tpu.memref_slice %arg10[%add3A_524, %dma_start3A_541] : memref<256x128xf32, #tpu.memory_space<vmem>> -> memref<1x64xf32, #tpu.memory_space<vmem>>
      %dma_start3A_543 = tpu.memref_squeeze %dma_start3A_542 : memref<1x64xf32, #tpu.memory_space<vmem>> -> memref<64xf32, #tpu.memory_space<vmem>>
      %dma_start3A_544 = arith.constant 0 : i32
      %dma_start3A_545 = tpu.memref_slice %arg5[%squeeze3A_540, %dma_start3A_544] : memref<1000000x64xf32, #tpu.memory_space<hbm>> -> memref<1x64xf32, #tpu.memory_space<hbm>>
      %dma_start3A_546 = tpu.memref_squeeze %dma_start3A_545 : memref<1x64xf32, #tpu.memory_space<hbm>> -> memref<64xf32, #tpu.memory_space<hbm>>
      %dma_start3A_547 = arith.constant 64 : i32
      %dma_start3A_548 = tpu.memref_slice %arg10[%add3A_524, %dma_start3A_547] : memref<256x128xf32, #tpu.memory_space<vmem>> -> memref<1x64xf32, #tpu.memory_space<vmem>>
      %dma_start3A_549 = tpu.memref_squeeze %dma_start3A_548 : memref<1x64xf32, #tpu.memory_space<vmem>> -> memref<64xf32, #tpu.memory_space<vmem>>
      %dma_start3A_550 = arith.constant 0 : i32
      %dma_start3A_551 = tpu.memref_slice %arg5[%squeeze3A_540, %dma_start3A_550] : memref<1000000x64xf32, #tpu.memory_space<hbm>> -> memref<1x64xf32, #tpu.memory_space<hbm>>
      %dma_start3A_552 = tpu.memref_squeeze %dma_start3A_551 : memref<1x64xf32, #tpu.memory_space<hbm>> -> memref<64xf32, #tpu.memory_space<hbm>>
      tpu.enqueue_dma source(%dma_start3A_552 : memref<64xf32, #tpu.memory_space<hbm>>) target(%dma_start3A_549 : memref<64xf32, #tpu.memory_space<vmem>>) target_semaphore(%arg14 : memref<!tpu.dma_semaphore, #tpu.memory_space<semaphore_mem>>)
      %mul3A_553 = arith.constant 8 : i32
      %mul3A_554 = arith.muli %scan3A_28, %mul3A_553 : i32
      %add3A_555 = arith.constant 7 : i32
      %add3A_556 = arith.addi %mul3A_554, %add3A_555 : i32
      %slice3A_557 = vector.extract_strided_slice %get3A_62 {offsets = [14], sizes = [1], strides = [1]} : vector<16xi32> to vector<1xi32>
      %squeeze3A_558 = vector.extract %slice3A_557[0] : i32 from vector<1xi32>
      %dma_start3A_559 = arith.constant 0 : i32
      %dma_start3A_560 = tpu.memref_slice %arg9[%add3A_556, %dma_start3A_559] : memref<256x128xf32, #tpu.memory_space<vmem>> -> memref<1x64xf32, #tpu.memory_space<vmem>>
      %dma_start3A_561 = tpu.memref_squeeze %dma_start3A_560 : memref<1x64xf32, #tpu.memory_space<vmem>> -> memref<64xf32, #tpu.memory_space<vmem>>
      %dma_start3A_562 = arith.constant 0 : i32
      %dma_start3A_563 = tpu.memref_slice %arg4[%squeeze3A_558, %dma_start3A_562] : memref<1000000x64xf32, #tpu.memory_space<hbm>> -> memref<1x64xf32, #tpu.memory_space<hbm>>
      %dma_start3A_564 = tpu.memref_squeeze %dma_start3A_563 : memref<1x64xf32, #tpu.memory_space<hbm>> -> memref<64xf32, #tpu.memory_space<hbm>>
      %dma_start3A_565 = arith.constant 0 : i32
      %dma_start3A_566 = tpu.memref_slice %arg9[%add3A_556, %dma_start3A_565] : memref<256x128xf32, #tpu.memory_space<vmem>> -> memref<1x64xf32, #tpu.memory_space<vmem>>
      %dma_start3A_567 = tpu.memref_squeeze %dma_start3A_566 : memref<1x64xf32, #tpu.memory_space<vmem>> -> memref<64xf32, #tpu.memory_space<vmem>>
      %dma_start3A_568 = arith.constant 0 : i32
      %dma_start3A_569 = tpu.memref_slice %arg4[%squeeze3A_558, %dma_start3A_568] : memref<1000000x64xf32, #tpu.memory_space<hbm>> -> memref<1x64xf32, #tpu.memory_space<hbm>>
      %dma_start3A_570 = tpu.memref_squeeze %dma_start3A_569 : memref<1x64xf32, #tpu.memory_space<hbm>> -> memref<64xf32, #tpu.memory_space<hbm>>
      tpu.enqueue_dma source(%dma_start3A_570 : memref<64xf32, #tpu.memory_space<hbm>>) target(%dma_start3A_567 : memref<64xf32, #tpu.memory_space<vmem>>) target_semaphore(%arg13 : memref<!tpu.dma_semaphore, #tpu.memory_space<semaphore_mem>>)
      %slice3A_571 = vector.extract_strided_slice %get3A_107 {offsets = [14], sizes = [1], strides = [1]} : vector<16xi32> to vector<1xi32>
      %squeeze3A_572 = vector.extract %slice3A_571[0] : i32 from vector<1xi32>
      %dma_start3A_573 = arith.constant 0 : i32
      %dma_start3A_574 = tpu.memref_slice %arg10[%add3A_556, %dma_start3A_573] : memref<256x128xf32, #tpu.memory_space<vmem>> -> memref<1x64xf32, #tpu.memory_space<vmem>>
      %dma_start3A_575 = tpu.memref_squeeze %dma_start3A_574 : memref<1x64xf32, #tpu.memory_space<vmem>> -> memref<64xf32, #tpu.memory_space<vmem>>
      %dma_start3A_576 = arith.constant 0 : i32
      %dma_start3A_577 = tpu.memref_slice %arg5[%squeeze3A_572, %dma_start3A_576] : memref<1000000x64xf32, #tpu.memory_space<hbm>> -> memref<1x64xf32, #tpu.memory_space<hbm>>
      %dma_start3A_578 = tpu.memref_squeeze %dma_start3A_577 : memref<1x64xf32, #tpu.memory_space<hbm>> -> memref<64xf32, #tpu.memory_space<hbm>>
      %dma_start3A_579 = arith.constant 0 : i32
      %dma_start3A_580 = tpu.memref_slice %arg10[%add3A_556, %dma_start3A_579] : memref<256x128xf32, #tpu.memory_space<vmem>> -> memref<1x64xf32, #tpu.memory_space<vmem>>
      %dma_start3A_581 = tpu.memref_squeeze %dma_start3A_580 : memref<1x64xf32, #tpu.memory_space<vmem>> -> memref<64xf32, #tpu.memory_space<vmem>>
      %dma_start3A_582 = arith.constant 0 : i32
      %dma_start3A_583 = tpu.memref_slice %arg5[%squeeze3A_572, %dma_start3A_582] : memref<1000000x64xf32, #tpu.memory_space<hbm>> -> memref<1x64xf32, #tpu.memory_space<hbm>>
      %dma_start3A_584 = tpu.memref_squeeze %dma_start3A_583 : memref<1x64xf32, #tpu.memory_space<hbm>> -> memref<64xf32, #tpu.memory_space<hbm>>
      tpu.enqueue_dma source(%dma_start3A_584 : memref<64xf32, #tpu.memory_space<hbm>>) target(%dma_start3A_581 : memref<64xf32, #tpu.memory_space<vmem>>) target_semaphore(%arg14 : memref<!tpu.dma_semaphore, #tpu.memory_space<semaphore_mem>>)
      %mul3A_585 = arith.constant 8 : i32
      %mul3A_586 = arith.muli %scan3A_28, %mul3A_585 : i32
      %add3A_587 = arith.constant 7 : i32
      %add3A_588 = arith.addi %mul3A_586, %add3A_587 : i32
      %slice3A_589 = vector.extract_strided_slice %get3A_62 {offsets = [15], sizes = [1], strides = [1]} : vector<16xi32> to vector<1xi32>
      %squeeze3A_590 = vector.extract %slice3A_589[0] : i32 from vector<1xi32>
      %dma_start3A_591 = arith.constant 64 : i32
      %dma_start3A_592 = tpu.memref_slice %arg9[%add3A_588, %dma_start3A_591] : memref<256x128xf32, #tpu.memory_space<vmem>> -> memref<1x64xf32, #tpu.memory_space<vmem>>
      %dma_start3A_593 = tpu.memref_squeeze %dma_start3A_592 : memref<1x64xf32, #tpu.memory_space<vmem>> -> memref<64xf32, #tpu.memory_space<vmem>>
      %dma_start3A_594 = arith.constant 0 : i32
      %dma_start3A_595 = tpu.memref_slice %arg4[%squeeze3A_590, %dma_start3A_594] : memref<1000000x64xf32, #tpu.memory_space<hbm>> -> memref<1x64xf32, #tpu.memory_space<hbm>>
      %dma_start3A_596 = tpu.memref_squeeze %dma_start3A_595 : memref<1x64xf32, #tpu.memory_space<hbm>> -> memref<64xf32, #tpu.memory_space<hbm>>
      %dma_start3A_597 = arith.constant 64 : i32
      %dma_start3A_598 = tpu.memref_slice %arg9[%add3A_588, %dma_start3A_597] : memref<256x128xf32, #tpu.memory_space<vmem>> -> memref<1x64xf32, #tpu.memory_space<vmem>>
      %dma_start3A_599 = tpu.memref_squeeze %dma_start3A_598 : memref<1x64xf32, #tpu.memory_space<vmem>> -> memref<64xf32, #tpu.memory_space<vmem>>
      %dma_start3A_600 = arith.constant 0 : i32
      %dma_start3A_601 = tpu.memref_slice %arg4[%squeeze3A_590, %dma_start3A_600] : memref<1000000x64xf32, #tpu.memory_space<hbm>> -> memref<1x64xf32, #tpu.memory_space<hbm>>
      %dma_start3A_602 = tpu.memref_squeeze %dma_start3A_601 : memref<1x64xf32, #tpu.memory_space<hbm>> -> memref<64xf32, #tpu.memory_space<hbm>>
      tpu.enqueue_dma source(%dma_start3A_602 : memref<64xf32, #tpu.memory_space<hbm>>) target(%dma_start3A_599 : memref<64xf32, #tpu.memory_space<vmem>>) target_semaphore(%arg13 : memref<!tpu.dma_semaphore, #tpu.memory_space<semaphore_mem>>)
      %slice3A_603 = vector.extract_strided_slice %get3A_107 {offsets = [15], sizes = [1], strides = [1]} : vector<16xi32> to vector<1xi32>
      %squeeze3A_604 = vector.extract %slice3A_603[0] : i32 from vector<1xi32>
      %dma_start3A_605 = arith.constant 64 : i32
      %dma_start3A_606 = tpu.memref_slice %arg10[%add3A_588, %dma_start3A_605] : memref<256x128xf32, #tpu.memory_space<vmem>> -> memref<1x64xf32, #tpu.memory_space<vmem>>
      %dma_start3A_607 = tpu.memref_squeeze %dma_start3A_606 : memref<1x64xf32, #tpu.memory_space<vmem>> -> memref<64xf32, #tpu.memory_space<vmem>>
      %dma_start3A_608 = arith.constant 0 : i32
      %dma_start3A_609 = tpu.memref_slice %arg5[%squeeze3A_604, %dma_start3A_608] : memref<1000000x64xf32, #tpu.memory_space<hbm>> -> memref<1x64xf32, #tpu.memory_space<hbm>>
      %dma_start3A_610 = tpu.memref_squeeze %dma_start3A_609 : memref<1x64xf32, #tpu.memory_space<hbm>> -> memref<64xf32, #tpu.memory_space<hbm>>
      %dma_start3A_611 = arith.constant 64 : i32
      %dma_start3A_612 = tpu.memref_slice %arg10[%add3A_588, %dma_start3A_611] : memref<256x128xf32, #tpu.memory_space<vmem>> -> memref<1x64xf32, #tpu.memory_space<vmem>>
      %dma_start3A_613 = tpu.memref_squeeze %dma_start3A_612 : memref<1x64xf32, #tpu.memory_space<vmem>> -> memref<64xf32, #tpu.memory_space<vmem>>
      %dma_start3A_614 = arith.constant 0 : i32
      %dma_start3A_615 = tpu.memref_slice %arg5[%squeeze3A_604, %dma_start3A_614] : memref<1000000x64xf32, #tpu.memory_space<hbm>> -> memref<1x64xf32, #tpu.memory_space<hbm>>
      %dma_start3A_616 = tpu.memref_squeeze %dma_start3A_615 : memref<1x64xf32, #tpu.memory_space<hbm>> -> memref<64xf32, #tpu.memory_space<hbm>>
      tpu.enqueue_dma source(%dma_start3A_616 : memref<64xf32, #tpu.memory_space<hbm>>) target(%dma_start3A_613 : memref<64xf32, #tpu.memory_space<vmem>>) target_semaphore(%arg14 : memref<!tpu.dma_semaphore, #tpu.memory_space<semaphore_mem>>)
    }
    %scan3A_7 = arith.constant 32 : i32
    %scan3A_8 = arith.constant 0 : i32
    %scan3A_9 = arith.constant 0 : i32
    %scan3A_10 = arith.constant 512 : i32
    %scan3A_11 = arith.addi %scan3A_9, %scan3A_10 : i32
    %scan3A_12 = arith.constant 1 : i32
    scf.for %scan3A_28 = %scan3A_9 to %scan3A_11 step %scan3A_12  : i32 {
      %dma_wait3A = arith.constant 0 : i32
      %dma_wait3A_29 = arith.constant 0 : i32
      %dma_wait3A_30 = arith.constant 0 : i32
      %dma_wait3A_31 = tpu.memref_slice %arg9[%dma_wait3A_29, %dma_wait3A_30] : memref<256x128xf32, #tpu.memory_space<vmem>> -> memref<1x64xf32, #tpu.memory_space<vmem>>
      %dma_wait3A_32 = tpu.memref_squeeze %dma_wait3A_31 : memref<1x64xf32, #tpu.memory_space<vmem>> -> memref<64xf32, #tpu.memory_space<vmem>>
      %dma_wait3A_33 = arith.constant 0 : i32
      %dma_wait3A_34 = tpu.memref_slice %arg4[%dma_wait3A, %dma_wait3A_33] : memref<1000000x64xf32, #tpu.memory_space<hbm>> -> memref<1x64xf32, #tpu.memory_space<hbm>>
      %dma_wait3A_35 = tpu.memref_squeeze %dma_wait3A_34 : memref<1x64xf32, #tpu.memory_space<hbm>> -> memref<64xf32, #tpu.memory_space<hbm>>
      %dma_wait3A_36 = arith.constant 0 : i32
      %dma_wait3A_37 = tpu.memref_slice %arg9[%dma_wait3A_29, %dma_wait3A_36] : memref<256x128xf32, #tpu.memory_space<vmem>> -> memref<1x64xf32, #tpu.memory_space<vmem>>
      %dma_wait3A_38 = tpu.memref_squeeze %dma_wait3A_37 : memref<1x64xf32, #tpu.memory_space<vmem>> -> memref<64xf32, #tpu.memory_space<vmem>>
      %dma_wait3A_39 = arith.constant 0 : i32
      %dma_wait3A_40 = tpu.memref_slice %arg4[%dma_wait3A, %dma_wait3A_39] : memref<1000000x64xf32, #tpu.memory_space<hbm>> -> memref<1x64xf32, #tpu.memory_space<hbm>>
      %dma_wait3A_41 = tpu.memref_squeeze %dma_wait3A_40 : memref<1x64xf32, #tpu.memory_space<hbm>> -> memref<64xf32, #tpu.memory_space<hbm>>
      tpu.wait_dma2 semaphore(%arg13 : memref<!tpu.dma_semaphore, #tpu.memory_space<semaphore_mem>>) src(%dma_wait3A_41 : memref<64xf32, #tpu.memory_space<hbm>>) dst(%dma_wait3A_38 : memref<64xf32, #tpu.memory_space<vmem>>)
      %dma_wait3A_42 = arith.constant 0 : i32
      %dma_wait3A_43 = arith.constant 0 : i32
      %dma_wait3A_44 = arith.constant 0 : i32
      %dma_wait3A_45 = tpu.memref_slice %arg10[%dma_wait3A_43, %dma_wait3A_44] : memref<256x128xf32, #tpu.memory_space<vmem>> -> memref<1x64xf32, #tpu.memory_space<vmem>>
      %dma_wait3A_46 = tpu.memref_squeeze %dma_wait3A_45 : memref<1x64xf32, #tpu.memory_space<vmem>> -> memref<64xf32, #tpu.memory_space<vmem>>
      %dma_wait3A_47 = arith.constant 0 : i32
      %dma_wait3A_48 = tpu.memref_slice %arg5[%dma_wait3A_42, %dma_wait3A_47] : memref<1000000x64xf32, #tpu.memory_space<hbm>> -> memref<1x64xf32, #tpu.memory_space<hbm>>
      %dma_wait3A_49 = tpu.memref_squeeze %dma_wait3A_48 : memref<1x64xf32, #tpu.memory_space<hbm>> -> memref<64xf32, #tpu.memory_space<hbm>>
      %dma_wait3A_50 = arith.constant 0 : i32
      %dma_wait3A_51 = tpu.memref_slice %arg10[%dma_wait3A_43, %dma_wait3A_50] : memref<256x128xf32, #tpu.memory_space<vmem>> -> memref<1x64xf32, #tpu.memory_space<vmem>>
      %dma_wait3A_52 = tpu.memref_squeeze %dma_wait3A_51 : memref<1x64xf32, #tpu.memory_space<vmem>> -> memref<64xf32, #tpu.memory_space<vmem>>
      %dma_wait3A_53 = arith.constant 0 : i32
      %dma_wait3A_54 = tpu.memref_slice %arg5[%dma_wait3A_42, %dma_wait3A_53] : memref<1000000x64xf32, #tpu.memory_space<hbm>> -> memref<1x64xf32, #tpu.memory_space<hbm>>
      %dma_wait3A_55 = tpu.memref_squeeze %dma_wait3A_54 : memref<1x64xf32, #tpu.memory_space<hbm>> -> memref<64xf32, #tpu.memory_space<hbm>>
      tpu.wait_dma2 semaphore(%arg14 : memref<!tpu.dma_semaphore, #tpu.memory_space<semaphore_mem>>) src(%dma_wait3A_55 : memref<64xf32, #tpu.memory_space<hbm>>) dst(%dma_wait3A_52 : memref<64xf32, #tpu.memory_space<vmem>>)
    }
    %scan3A_13 = arith.constant 512 : i32
    %scan3A_14 = arith.constant 0 : i32
    %scan3A_15 = arith.constant 0 : i32
    %scan3A_16 = arith.constant 256 : i32
    %scan3A_17 = arith.addi %scan3A_15, %scan3A_16 : i32
    %scan3A_18 = arith.constant 1 : i32
    scf.for %scan3A_28 = %scan3A_15 to %scan3A_17 step %scan3A_18  : i32 {
      %get3A = arith.index_cast %scan3A_28 : i32 to index
      %get3A_29 = arith.constant 0 : index
      %get3A_30 = tpu.vector_load %arg9[%get3A, %get3A_29] {strides = array<i32>} : memref<256x128xf32, #tpu.memory_space<vmem>>, vector<16xf32>,
      %get3A_31 = arith.index_cast %scan3A_28 : i32 to index
      %get3A_32 = arith.constant 0 : index
      %get3A_33 = tpu.vector_load %arg10[%get3A_31, %get3A_32] {strides = array<i32>} : memref<256x128xf32, #tpu.memory_space<vmem>>, vector<16xf32>,
      %mul3A_34 = arith.mulf %get3A_30, %get3A_33 : vector<16xf32>
      %get3A_35 = arith.index_cast %scan3A_28 : i32 to index
      %get3A_36 = arith.constant 16 : index
      %get3A_37 = tpu.vector_load %arg9[%get3A_35, %get3A_36] {strides = array<i32>} : memref<256x128xf32, #tpu.memory_space<vmem>>, vector<16xf32>,
      %get3A_38 = arith.index_cast %scan3A_28 : i32 to index
      %get3A_39 = arith.constant 16 : index
      %get3A_40 = tpu.vector_load %arg10[%get3A_38, %get3A_39] {strides = array<i32>} : memref<256x128xf32, #tpu.memory_space<vmem>>, vector<16xf32>,
      %mul3A_41 = arith.mulf %get3A_37, %get3A_40 : vector<16xf32>
      %add3A_42 = arith.addf %mul3A_34, %mul3A_41 : vector<16xf32>
      %get3A_43 = arith.index_cast %scan3A_28 : i32 to index
      %get3A_44 = arith.constant 32 : index
      %get3A_45 = tpu.vector_load %arg9[%get3A_43, %get3A_44] {strides = array<i32>} : memref<256x128xf32, #tpu.memory_space<vmem>>, vector<16xf32>,
      %get3A_46 = arith.index_cast %scan3A_28 : i32 to index
      %get3A_47 = arith.constant 32 : index
      %get3A_48 = tpu.vector_load %arg10[%get3A_46, %get3A_47] {strides = array<i32>} : memref<256x128xf32, #tpu.memory_space<vmem>>, vector<16xf32>,
      %mul3A_49 = arith.mulf %get3A_45, %get3A_48 : vector<16xf32>
      %add3A_50 = arith.addf %add3A_42, %mul3A_49 : vector<16xf32>
      %get3A_51 = arith.index_cast %scan3A_28 : i32 to index
      %get3A_52 = arith.constant 48 : index
      %get3A_53 = tpu.vector_load %arg9[%get3A_51, %get3A_52] {strides = array<i32>} : memref<256x128xf32, #tpu.memory_space<vmem>>, vector<16xf32>,
      %get3A_54 = arith.index_cast %scan3A_28 : i32 to index
      %get3A_55 = arith.constant 48 : index
      %get3A_56 = tpu.vector_load %arg10[%get3A_54, %get3A_55] {strides = array<i32>} : memref<256x128xf32, #tpu.memory_space<vmem>>, vector<16xf32>,
      %mul3A_57 = arith.mulf %get3A_53, %get3A_56 : vector<16xf32>
      %add3A_58 = arith.addf %add3A_50, %mul3A_57 : vector<16xf32>
      %mul3A_59 = arith.constant 2 : i32
      %mul3A_60 = arith.muli %mul3A_59, %scan3A_28 : i32
      %add3A_61 = arith.constant 0 : i32
      %add3A_62 = arith.addi %mul3A_60, %add3A_61 : i32
      %mul3A_63 = arith.constant 16 : i32
      %mul3A_64 = arith.muli %add3A_62, %mul3A_63 : i32
      %swap3A = arith.index_cast %mul3A_64 : i32 to index
      %swap3A_65 = tpu.vector_load %arg11[%swap3A] {strides = array<i32>} : memref<8192xf32, #tpu.memory_space<vmem>>, vector<16xf32>,
      tpu.vector_store %arg11[%swap3A], %add3A_58 {strides = array<i32>} : memref<8192xf32, #tpu.memory_space<vmem>>, vector<16xf32>,
      %get3A_66 = arith.index_cast %scan3A_28 : i32 to index
      %get3A_67 = arith.constant 64 : index
      %get3A_68 = tpu.vector_load %arg9[%get3A_66, %get3A_67] {strides = array<i32>} : memref<256x128xf32, #tpu.memory_space<vmem>>, vector<16xf32>,
      %get3A_69 = arith.index_cast %scan3A_28 : i32 to index
      %get3A_70 = arith.constant 64 : index
      %get3A_71 = tpu.vector_load %arg10[%get3A_69, %get3A_70] {strides = array<i32>} : memref<256x128xf32, #tpu.memory_space<vmem>>, vector<16xf32>,
      %mul3A_72 = arith.mulf %get3A_68, %get3A_71 : vector<16xf32>
      %get3A_73 = arith.index_cast %scan3A_28 : i32 to index
      %get3A_74 = arith.constant 80 : index
      %get3A_75 = tpu.vector_load %arg9[%get3A_73, %get3A_74] {strides = array<i32>} : memref<256x128xf32, #tpu.memory_space<vmem>>, vector<16xf32>,
      %get3A_76 = arith.index_cast %scan3A_28 : i32 to index
      %get3A_77 = arith.constant 80 : index
      %get3A_78 = tpu.vector_load %arg10[%get3A_76, %get3A_77] {strides = array<i32>} : memref<256x128xf32, #tpu.memory_space<vmem>>, vector<16xf32>,
      %mul3A_79 = arith.mulf %get3A_75, %get3A_78 : vector<16xf32>
      %add3A_80 = arith.addf %mul3A_72, %mul3A_79 : vector<16xf32>
      %get3A_81 = arith.index_cast %scan3A_28 : i32 to index
      %get3A_82 = arith.constant 96 : index
      %get3A_83 = tpu.vector_load %arg9[%get3A_81, %get3A_82] {strides = array<i32>} : memref<256x128xf32, #tpu.memory_space<vmem>>, vector<16xf32>,
      %get3A_84 = arith.index_cast %scan3A_28 : i32 to index
      %get3A_85 = arith.constant 96 : index
      %get3A_86 = tpu.vector_load %arg10[%get3A_84, %get3A_85] {strides = array<i32>} : memref<256x128xf32, #tpu.memory_space<vmem>>, vector<16xf32>,
      %mul3A_87 = arith.mulf %get3A_83, %get3A_86 : vector<16xf32>
      %add3A_88 = arith.addf %add3A_80, %mul3A_87 : vector<16xf32>
      %get3A_89 = arith.index_cast %scan3A_28 : i32 to index
      %get3A_90 = arith.constant 112 : index
      %get3A_91 = tpu.vector_load %arg9[%get3A_89, %get3A_90] {strides = array<i32>} : memref<256x128xf32, #tpu.memory_space<vmem>>, vector<16xf32>,
      %get3A_92 = arith.index_cast %scan3A_28 : i32 to index
      %get3A_93 = arith.constant 112 : index
      %get3A_94 = tpu.vector_load %arg10[%get3A_92, %get3A_93] {strides = array<i32>} : memref<256x128xf32, #tpu.memory_space<vmem>>, vector<16xf32>,
      %mul3A_95 = arith.mulf %get3A_91, %get3A_94 : vector<16xf32>
      %add3A_96 = arith.addf %add3A_88, %mul3A_95 : vector<16xf32>
      %mul3A_97 = arith.constant 2 : i32
      %mul3A_98 = arith.muli %mul3A_97, %scan3A_28 : i32
      %add3A_99 = arith.constant 1 : i32
      %add3A_100 = arith.addi %mul3A_98, %add3A_99 : i32
      %mul3A_101 = arith.constant 16 : i32
      %mul3A_102 = arith.muli %add3A_100, %mul3A_101 : i32
      %swap3A_103 = arith.index_cast %mul3A_102 : i32 to index
      %swap3A_104 = tpu.vector_load %arg11[%swap3A_103] {strides = array<i32>} : memref<8192xf32, #tpu.memory_space<vmem>>, vector<16xf32>,
      tpu.vector_store %arg11[%swap3A_103], %add3A_96 {strides = array<i32>} : memref<8192xf32, #tpu.memory_space<vmem>>, vector<16xf32>,
    }
    %scan3A_19 = arith.constant 256 : i32
    %scan3A_20 = arith.constant 0 : i32
    %scan3A_21 = arith.constant 0 : i32
    %scan3A_22 = arith.constant 32 : i32
    %scan3A_23 = arith.addi %scan3A_21, %scan3A_22 : i32
    %scan3A_24 = arith.constant 1 : i32
    scf.for %scan3A_28 = %scan3A_21 to %scan3A_23 step %scan3A_24  : i32 {
      %mul3A_29 = arith.constant 16 : i32
      %mul3A_30 = arith.muli %scan3A_28, %mul3A_29 : i32
      %iota3A = tpu.iota {dimensions = array<i32: 0>} : vector<16xi32>
      %add3A_31 = vector.broadcast %mul3A_30 : i32 to vector<16xi32>
      %add3A_32 = arith.addi %add3A_31, %iota3A : vector<16xi32>
      %mul3A_33 = arith.constant 16 : i32
      %mul3A_34 = vector.broadcast %mul3A_33 : i32 to vector<16xi32>
      %mul3A_35 = arith.muli %add3A_32, %mul3A_34 : vector<16xi32>
      %gather3A = tpu.vector_load_idx %arg11[%mul3A_35] : memref<8192xf32, #tpu.memory_space<vmem>>[vector<16xi32>], vector<16xf32>,
      %add3A_36 = arith.constant 1 : i32
      %add3A_37 = vector.broadcast %add3A_36 : i32 to vector<16xi32>
      %add3A_38 = arith.addi %mul3A_35, %add3A_37 : vector<16xi32>
      %gather3A_39 = tpu.vector_load_idx %arg11[%add3A_38] : memref<8192xf32, #tpu.memory_space<vmem>>[vector<16xi32>], vector<16xf32>,
      %add3A_40 = arith.addf %gather3A, %gather3A_39 : vector<16xf32>
      %add3A_41 = arith.constant 2 : i32
      %add3A_42 = vector.broadcast %add3A_41 : i32 to vector<16xi32>
      %add3A_43 = arith.addi %mul3A_35, %add3A_42 : vector<16xi32>
      %gather3A_44 = tpu.vector_load_idx %arg11[%add3A_43] : memref<8192xf32, #tpu.memory_space<vmem>>[vector<16xi32>], vector<16xf32>,
      %add3A_45 = arith.addf %add3A_40, %gather3A_44 : vector<16xf32>
      %add3A_46 = arith.constant 3 : i32
      %add3A_47 = vector.broadcast %add3A_46 : i32 to vector<16xi32>
      %add3A_48 = arith.addi %mul3A_35, %add3A_47 : vector<16xi32>
      %gather3A_49 = tpu.vector_load_idx %arg11[%add3A_48] : memref<8192xf32, #tpu.memory_space<vmem>>[vector<16xi32>], vector<16xf32>,
      %add3A_50 = arith.addf %add3A_45, %gather3A_49 : vector<16xf32>
      %add3A_51 = arith.constant 4 : i32
      %add3A_52 = vector.broadcast %add3A_51 : i32 to vector<16xi32>
      %add3A_53 = arith.addi %mul3A_35, %add3A_52 : vector<16xi32>
      %gather3A_54 = tpu.vector_load_idx %arg11[%add3A_53] : memref<8192xf32, #tpu.memory_space<vmem>>[vector<16xi32>], vector<16xf32>,
      %add3A_55 = arith.addf %add3A_50, %gather3A_54 : vector<16xf32>
      %add3A_56 = arith.constant 5 : i32
      %add3A_57 = vector.broadcast %add3A_56 : i32 to vector<16xi32>
      %add3A_58 = arith.addi %mul3A_35, %add3A_57 : vector<16xi32>
      %gather3A_59 = tpu.vector_load_idx %arg11[%add3A_58] : memref<8192xf32, #tpu.memory_space<vmem>>[vector<16xi32>], vector<16xf32>,
      %add3A_60 = arith.addf %add3A_55, %gather3A_59 : vector<16xf32>
      %add3A_61 = arith.constant 6 : i32
      %add3A_62 = vector.broadcast %add3A_61 : i32 to vector<16xi32>
      %add3A_63 = arith.addi %mul3A_35, %add3A_62 : vector<16xi32>
      %gather3A_64 = tpu.vector_load_idx %arg11[%add3A_63] : memref<8192xf32, #tpu.memory_space<vmem>>[vector<16xi32>], vector<16xf32>,
      %add3A_65 = arith.addf %add3A_60, %gather3A_64 : vector<16xf32>
      %add3A_66 = arith.constant 7 : i32
      %add3A_67 = vector.broadcast %add3A_66 : i32 to vector<16xi32>
      %add3A_68 = arith.addi %mul3A_35, %add3A_67 : vector<16xi32>
      %gather3A_69 = tpu.vector_load_idx %arg11[%add3A_68] : memref<8192xf32, #tpu.memory_space<vmem>>[vector<16xi32>], vector<16xf32>,
      %add3A_70 = arith.addf %add3A_65, %gather3A_69 : vector<16xf32>
      %add3A_71 = arith.constant 8 : i32
      %add3A_72 = vector.broadcast %add3A_71 : i32 to vector<16xi32>
      %add3A_73 = arith.addi %mul3A_35, %add3A_72 : vector<16xi32>
      %gather3A_74 = tpu.vector_load_idx %arg11[%add3A_73] : memref<8192xf32, #tpu.memory_space<vmem>>[vector<16xi32>], vector<16xf32>,
      %add3A_75 = arith.addf %add3A_70, %gather3A_74 : vector<16xf32>
      %add3A_76 = arith.constant 9 : i32
      %add3A_77 = vector.broadcast %add3A_76 : i32 to vector<16xi32>
      %add3A_78 = arith.addi %mul3A_35, %add3A_77 : vector<16xi32>
      %gather3A_79 = tpu.vector_load_idx %arg11[%add3A_78] : memref<8192xf32, #tpu.memory_space<vmem>>[vector<16xi32>], vector<16xf32>,
      %add3A_80 = arith.addf %add3A_75, %gather3A_79 : vector<16xf32>
      %add3A_81 = arith.constant 10 : i32
      %add3A_82 = vector.broadcast %add3A_81 : i32 to vector<16xi32>
      %add3A_83 = arith.addi %mul3A_35, %add3A_82 : vector<16xi32>
      %gather3A_84 = tpu.vector_load_idx %arg11[%add3A_83] : memref<8192xf32, #tpu.memory_space<vmem>>[vector<16xi32>], vector<16xf32>,
      %add3A_85 = arith.addf %add3A_80, %gather3A_84 : vector<16xf32>
      %add3A_86 = arith.constant 11 : i32
      %add3A_87 = vector.broadcast %add3A_86 : i32 to vector<16xi32>
      %add3A_88 = arith.addi %mul3A_35, %add3A_87 : vector<16xi32>
      %gather3A_89 = tpu.vector_load_idx %arg11[%add3A_88] : memref<8192xf32, #tpu.memory_space<vmem>>[vector<16xi32>], vector<16xf32>,
      %add3A_90 = arith.addf %add3A_85, %gather3A_89 : vector<16xf32>
      %add3A_91 = arith.constant 12 : i32
      %add3A_92 = vector.broadcast %add3A_91 : i32 to vector<16xi32>
      %add3A_93 = arith.addi %mul3A_35, %add3A_92 : vector<16xi32>
      %gather3A_94 = tpu.vector_load_idx %arg11[%add3A_93] : memref<8192xf32, #tpu.memory_space<vmem>>[vector<16xi32>], vector<16xf32>,
      %add3A_95 = arith.addf %add3A_90, %gather3A_94 : vector<16xf32>
      %add3A_96 = arith.constant 13 : i32
      %add3A_97 = vector.broadcast %add3A_96 : i32 to vector<16xi32>
      %add3A_98 = arith.addi %mul3A_35, %add3A_97 : vector<16xi32>
      %gather3A_99 = tpu.vector_load_idx %arg11[%add3A_98] : memref<8192xf32, #tpu.memory_space<vmem>>[vector<16xi32>], vector<16xf32>,
      %add3A_100 = arith.addf %add3A_95, %gather3A_99 : vector<16xf32>
      %add3A_101 = arith.constant 14 : i32
      %add3A_102 = vector.broadcast %add3A_101 : i32 to vector<16xi32>
      %add3A_103 = arith.addi %mul3A_35, %add3A_102 : vector<16xi32>
      %gather3A_104 = tpu.vector_load_idx %arg11[%add3A_103] : memref<8192xf32, #tpu.memory_space<vmem>>[vector<16xi32>], vector<16xf32>,
      %add3A_105 = arith.addf %add3A_100, %gather3A_104 : vector<16xf32>
      %add3A_106 = arith.constant 15 : i32
      %add3A_107 = vector.broadcast %add3A_106 : i32 to vector<16xi32>
      %add3A_108 = arith.addi %mul3A_35, %add3A_107 : vector<16xi32>
      %gather3A_109 = tpu.vector_load_idx %arg11[%add3A_108] : memref<8192xf32, #tpu.memory_space<vmem>>[vector<16xi32>], vector<16xf32>,
      %add3A_110 = arith.addf %add3A_105, %gather3A_109 : vector<16xf32>
      %swap3A = arith.index_cast %mul3A_30 : i32 to index
      %swap3A_111 = tpu.vector_load %arg12[%swap3A] {strides = array<i32>} : memref<512xf32, #tpu.memory_space<vmem>>, vector<16xf32>,
      tpu.vector_store %arg12[%swap3A], %add3A_110 {strides = array<i32>} : memref<512xf32, #tpu.memory_space<vmem>>, vector<16xf32>,
    }
    %scan3A_25 = arith.constant 32 : i32
    %mul3A_26 = arith.constant 512 : i32
    %mul3A_27 = arith.muli %add3A, %mul3A_26 : i32
    "tpu.region"() ({
      %run_scoped3A = tpu.sem_alloc : memref<!tpu.dma_semaphore, #tpu.memory_space<semaphore_mem>>
      %dma_start3A = tpu.memref_slice %arg6[%mul3A_27] : memref<16384xf32, #tpu.memory_space<hbm>> -> memref<512xf32, #tpu.memory_space<hbm>>
      %dma_start3A_28 = tpu.memref_slice %arg6[%mul3A_27] : memref<16384xf32, #tpu.memory_space<hbm>> -> memref<512xf32, #tpu.memory_space<hbm>>
      tpu.enqueue_dma source(%arg12 : memref<512xf32, #tpu.memory_space<vmem>>) target(%dma_start3A_28 : memref<512xf32, #tpu.memory_space<hbm>>) target_semaphore(%run_scoped3A : memref<!tpu.dma_semaphore, #tpu.memory_space<semaphore_mem>>)
      %dma_wait3A = tpu.memref_slice %arg6[%mul3A_27] : memref<16384xf32, #tpu.memory_space<hbm>> -> memref<512xf32, #tpu.memory_space<hbm>>
      %dma_wait3A_29 = tpu.memref_slice %arg6[%mul3A_27] : memref<16384xf32, #tpu.memory_space<hbm>> -> memref<512xf32, #tpu.memory_space<hbm>>
      tpu.wait_dma2 semaphore(%run_scoped3A : memref<!tpu.dma_semaphore, #tpu.memory_space<semaphore_mem>>) src(%arg12 : memref<512xf32, #tpu.memory_space<vmem>>) dst(%dma_wait3A_29 : memref<512xf32, #tpu.memory_space<hbm>>)
      tpu.yield
    }) : () -> ()
    return
  }
}

</mosaic_0001>

<sc_bundles>
// kernel: kernel.3.cloned.1.call-start
scs
__scs_entry_jumppad:
0x0: {  	(pc) =	sbr.rel $0x88, $3  }
0x1: {  	(tag) =	ssettag $0x0;
	lr =	simm.s32 $0x1  }
0x2: {  	[smem:$0x3F9D] =	sst lr;
	_ =	strace $0xD0000000  }
0x3: {  	_ = 	snop  }
0x4: {  	_ = 	snop  }
0x5: {  	_ = 	snop  }
0x6: {  	_ = 	snop  }
0x7: {  	_ = 	snop  }
__scs_overlays_trampoline_lowered:
0x8: {  	[smem:$0x3FAC] =	sst s0  }
0x9: {  	[smem:$0x3FAD] =	sst s1  }
0xa: {  	[smem:$0x3FAE] =	sst s2  }
0xb: {  	[smem:$0x3FAF] =	sst s3  }
0xc: {  	[smem:$0x3FB0] =	sst s4  }
0xd: {  	[smem:$0x3FB1] =	sst s5  }
0xe: {  	[smem:$0x3FB2] =	sst s6  }
0xf: {  	[smem:$0x3FB3] =	sst s7  }
0x10: {  	[smem:$0x3FB4] =	sst s8  }
0x11: {  	[smem:$0x3FB5] =	sst s9;
	s0 =	simm.s32 @!p0 $0x0  }
0x12: {  	s1 =	sld [smem:$0x3F9B];
	s0 =	simm.s32 @p0 $0x1  }
0x13: {  	[smem:$0x3FB6] =	sst s0;
	s0 =	simm.s32 @!p1 $0x0  }
0x14: {  	s2 =	sld [smem:$0x3F9A];
	s0 =	simm.s32 @p1 $0x1  }
0x15: {  	[smem:$0x3FB7] =	sst s0;
	s0 =	simm.s32 @!p2 $0x0  }
0x16: {  	s3 =	sld [smem:$0x3FDB];
	s0 =	simm.s32 @p2 $0x1  }
0x17: {  	s4 =	simm.s32 $0x1BF5;
	[smem:$0x3FB9] =	sst s0  }
0x18: {  	s0 =	sld [smem:$0x3F9C];
	_ =	swait.ge [sflag:s4], $0x0  }
0x19: {  	s7 =	sld [smem:$0x3F9D]  }
0x1a: {  	s8 =	sadd.s32 $0xFFFFE003, lr  }
0x1b: {  	s9 =	sadd.s32 $0xFFFFFEF7, lr;
	s5 =	simm.s32 $0xFFFFFFFF;
	p2 =	slt.u32 s8, $0xFFFFF086  }
0x1c: {  	p1 =	slt.u32 s9, $0xF7A;
	s5 =	simm.s32 @!p2 $0x0  }
0x1d: {  	s5 =	simm.s32 @p1 $0x1;
	p0 =	seq.s32 s7, s2  }
0x1e: {  	s7 =	smul.u32 @!p0 $0xF7A, s2;
	p2 =	seq.s32 @!p0 s5, $0x0  }
0x1f: {  	s9 =	smul.u32 $0xF7A, s1;
	s8 =	simm.s32 @!p0 $0x1BF5;
	p2 =	por !p2, p0  }
0x20: {  	[sflag:s8] =	ssyncset.s32 @!p0 $0xFFFFF086;
	s6 =	sadd.s32 @!p0 s3, s7;
	s7 =	simm.s32 @!p0 $0x108  }
0x21: {  	s3 =	sadd.s32 s3, s9;
	s6 =	sadd.s32 @!p0 $0x88, s6;
	s7 =	simm.s32 @p2 $0x1082  }
0x22: {  	[simem:s7], [sflag:s8] =	dma.local @!p0 [hbm:s6], $0xF7A  }
0x23: {  	s9 =	sor.u32 $0xD0000000, s2;
	s6 =	simm.s32 $0x108;
	_ =	swait.ge @!p0 [sflag:s8], $0x0  }
0x24: {  	s3 =	sadd.s32 $0x88, s3;
	s6 =	simm.s32 @!p1 $0x1082;
	[sflag:s4] =	ssyncset.s32 $0xFFFFF086  }
0x25: {  	[simem:s6], [sflag:s4] =	dma.local [hbm:s3], $0xF7A  }
0x26: {  	[smem:$0x3F9D] =	sst s1;
	(tag) =	ssettag s2;
	_ =	strace s9  }
0x27: {  	s1 =	sld [smem:$0x3FAD]  }
0x28: {  	s2 =	sld [smem:$0x3FAE]  }
0x29: {  	s4 =	sld [smem:$0x3FB0]  }
0x2a: {  	p0 =	seq.s32 s5, $0x0;
	s5 =	sld [smem:$0x3FB1]  }
0x2b: {  	s6 =	sld [smem:$0x3FB2]  }
0x2c: {  	s7 =	sld [smem:$0x3FB3]  }
0x2d: {  	s3 =	simm.s32 $0x108;
	s8 =	sld [smem:$0x3FB4]  }
0x2e: {  	s3 =	simm.s32 @!p0 $0x1082;
	s9 =	sld [smem:$0x3FB5]  }
0x2f: {  	lr =	sadd.s32 s0, s3;
	s0 =	sld [smem:$0x3FAC]  }
0x30: {  	s3 =	sld [smem:$0x3FAF]  }
0x31: {  	[smem:$0x3FB8] =	sst s10  }
0x32: {  	s10 =	sld [smem:$0x3FB6];
	_ =	sdelay $0x3  }
0x33: {  	p0 =	seq.s32 s10, $0x1;
	s10 =	sld [smem:$0x3FB8];
	_ =	sdelay $0x3  }
0x34: {  	[smem:$0x3FB8] =	sst s10  }
0x35: {  	s10 =	sld [smem:$0x3FB7];
	_ =	sdelay $0x3  }
0x36: {  	p1 =	seq.s32 s10, $0x1;
	s10 =	sld [smem:$0x3FB8];
	_ =	sdelay $0x3  }
0x37: {  	[smem:$0x3FB8] =	sst s10  }
0x38: {  	s10 =	sld [smem:$0x3FB9]  }
0x39: {  	_ = 	snop;
	(pc) =	sbr.ind lr, $3  }
0x3a: {  	_ = 	snop  }
0x3b: {  	_ = 	snop  }
0x3c: {  	p2 =	seq.s32 s10, $0x1;
	s10 =	sld [smem:$0x3FB8]  }
0x3d: {  	_ =	shalt  }
0x3e: {  	_ =	shalt  }
0x3f: {  	_ =	shalt  }
0x40: {  	_ =	shalt  }
0x41: {  	_ =	shalt  }
0x42: {  	_ =	shalt  }
0x43: {  	_ =	shalt  }
0x44: {  	_ =	shalt  }
0x45: {  	_ =	shalt  }
0x46: {  	_ =	shalt  }
0x47: {  	_ =	shalt  }
0x48: {  	_ =	shalt  }
0x49: {  	_ =	shalt  }
0x4a: {  	_ =	shalt  }
0x4b: {  	_ =	shalt  }
0x4c: {  	_ =	shalt  }
0x4d: {  	_ =	shalt  }
0x4e: {  	_ =	shalt  }
0x4f: {  	_ =	shalt  }
0x50: {  	_ =	shalt  }
0x51: {  	_ =	shalt  }
0x52: {  	_ =	shalt  }
0x53: {  	_ =	shalt  }
0x54: {  	_ =	shalt  }
0x55: {  	_ =	shalt  }
0x56: {  	_ =	shalt  }
0x57: {  	_ =	shalt  }
0x58: {  	_ =	shalt  }
0x59: {  	_ =	shalt  }
0x5a: {  	_ =	shalt  }
0x5b: {  	_ =	shalt  }
0x5c: {  	_ =	shalt  }
0x5d: {  	_ =	shalt  }
0x5e: {  	_ =	shalt  }
0x5f: {  	_ =	shalt  }
0x60: {  	_ =	shalt  }
0x61: {  	_ =	shalt  }
0x62: {  	_ =	shalt  }
0x63: {  	_ =	shalt  }
0x64: {  	_ =	shalt  }
0x65: {  	_ =	shalt  }
0x66: {  	_ =	shalt  }
0x67: {  	_ =	shalt  }
0x68: {  	_ =	shalt  }
0x69: {  	_ =	shalt  }
0x6a: {  	_ =	shalt  }
0x6b: {  	_ =	shalt  }
0x6c: {  	_ =	shalt  }
0x6d: {  	_ =	shalt  }
0x6e: {  	_ =	shalt  }
0x6f: {  	_ =	shalt  }
0x70: {  	_ =	shalt  }
0x71: {  	_ =	shalt  }
0x72: {  	_ =	shalt  }
0x73: {  	_ =	shalt  }
0x74: {  	_ =	shalt  }
0x75: {  	_ =	shalt  }
0x76: {  	_ =	shalt  }
0x77: {  	_ =	shalt  }
0x78: {  	_ =	shalt  }
0x79: {  	_ =	shalt  }
0x7a: {  	_ =	shalt  }
0x7b: {  	_ =	shalt  }
0x7c: {  	_ =	shalt  }
0x7d: {  	_ =	shalt  }
0x7e: {  	_ =	shalt  }
0x7f: {  	_ =	shalt  }
0x80: {  	_ =	shalt  }
0x81: {  	_ =	shalt  }
0x82: {  	_ =	shalt  }
0x83: {  	_ =	shalt  }
0x84: {  	_ =	shalt  }
0x85: {  	_ =	shalt  }
0x86: {  	_ =	shalt  }
0x87: {  	_ =	shalt  }
.Lfunc_end0:
.L_simem_size_0:
called_computation_lowered:
.L_overlay_start_0:
0x88: {  	s2 =	sld [smem:$0x3FD9]  }
0x89: {  	s3 =	sld [smem:$0x3FFE];
	_ =	sdelay $0x1  }
0x8a: {  	s1 =	srdreg.scid  }
0x8b: {  	s0 =	sand.u32 $0x1, s1  }
0x8c: {  	s17 =	sshll.u32 s0, $0xA;
	s2 =	sadd.s32 s3, s2  }
0x8d: {  	s2 =	sadd.s32 s2, s17  }
0x8e: {  	[smem:$0x3FC4] =	sst s2  }
0x8f: {  	_ = 	snop  }
0x90: {  	s2 =	sld [smem:$0x3FC9]  }
0x91: {  	s18 =	sld [smem:$0x3FC8]  }
0x92: {  	s4 =	sld [smem:$0x3FD0];
	(tm) =	ssettm $0x1  }
0x93: {  	s5 =	sld [smem:$0x3FFB];
	_ =	sdelay $0x3  }
0x94: {  	_ =	strace s5  }
0x95: {  	s5 =	sld [smem:$0x3FFC];
	_ =	sdelay $0x3  }
0x96: {  	_ =	strace s5  }
0x97: {  	s5 =	sld [smem:$0x3FFD];
	_ =	sdelay $0x3  }
0x98: {  	_ =	strace s5  }
0x99: {  	_ =	strace $0x8FFFFFFF  }
0x9a: {  	s19 =	sld [smem:$0x3FDB];
	_ =	sdelay $0x1  }
0x9b: {  	s6 =	simm.s32 $_scs_section_size  }
0x9c: {  	s7 =	simm.s32 $_size__tile_overlayer_lowered;
	s8 =	simm.s32 $_tile_overlayer_lowered  }
0x9d: {  	s22 =	simm.s32 $0x1BFF;
	s21 =	sshll.u32 s8, $0x1;
	s5 =	sadd.s32 s6, s19  }
0x9e: {  	s9 =	simm.s32 $0x0;
	s20 =	sshll.u32 s7, $0x1;
	s7 =	sadd.s32 s21, s5  }
0x9f: {  	[timem:s9], [sflag:s22] =	dma.local [hbm:s7], s20  }
0xa0: {  	_ =	swait.ge [sflag:s22], s20  }
0xa1: {  	s6 =	ssub.s32 $0x0, s20;
	[sflag:s22] =	ssyncset.done $0x0  }
0xa2: {  	[sflag:s22] =	ssyncadd.s32 s6;
	_ =	sdelay $0x1  }
0xa3: {  	s23 =	simm.s32 $0x1B8B  }
0xa4: {  	_ =	swait.ge [sflag:s23], $0x1  }
0xa5: {  	[sflag:s23] =	ssyncset.done $0x0  }
0xa6: {  	s25 =	simm.s32 $0x1B8E;
	s24 =	sld [smem:$0x3FFE];
	[sflag:s23] =	ssyncadd.s32 $0xFFFFFFFF  }
0xa7: {  	s26 =	simm.s32 $execute0_lowered;
	[smem:$0x3FD2] =	sst s25  }
0xa8: {  	s7 =	sshll.u32 s26, $0x1;
	_ =	strace $0x80000046;
	[dreg:$0x1] =	wrdreg $0xFFFFFFFF  }
0xa9: {  	s28 =	simm.s32 $_size_execute0_lowered;
	s5 =	sadd.s32 s5, s7;
	[dreg:$0x0] =	wrdreg $0x0  }
0xaa: {  	s7 =	sshll.u32 s28, $0x1;
	[dreg:$0x2] =	wrdreg s5  }
0xab: {  	[dreg:$0x3] =	wrdreg s7  }
0xac: {  	[dreg:$0x4] =	wrdreg $0xC0  }
0xad: {  	_ =	task [dreg:s9], $0x5FFFF  }
0xae: {  	[dreg:$0x1] =	wrdreg $0xFFFFFFFF  }
0xaf: {  	[dreg:$0x0] =	wrdreg $0x60  }
0xb0: {  	[dreg:$0x2] =	wrdreg s2  }
0xb1: {  	[dreg:$0x3] =	wrdreg s18  }
0xb2: {  	[dreg:$0x4] =	wrdreg s24  }
0xb3: {  	[dreg:$0x5] =	wrdreg s4  }
0xb4: {  	[dreg:$0x6] =	wrdreg $0x9  }
0xb5: {  	_ =	task.clear_ibuf [dreg:s9], $0x7FFFF;
	_ =	strace $0x90000046  }
0xb6: {  	s29 =	simm.s32 $0x9;
	_ =	strace $0x80000048  }
0xb7: {  	_ =	swait.ge [sflag:s29], $0x1  }
0xb8: {  	[sflag:s29] =	ssyncadd.s32 $0xFFFFFFFF  }
0xb9: {  	_ =	strace $0x90000048  }
0xba: {  	_ =	sfence  }
0xbb: {  	s30 =	sld [smem:$0x0];
	_ =	sdelay $0x2  }
0xbc: {  	s31 =	sshll.u32 s1, $0xD;
	s1 =	sshrl.u32 s1, $0x2  }
0xbd: {  	s3 =	sand.u32 $0x4000, s31;
	s1 =	sadd.s32 s1, s30  }
0xbe: {  	s0 =	sor.u32 s3, s0;
	s1 =	sshll.u32 s1, $0x11  }
0xbf: {  	s0 =	sor.u32 s1, s0  }
0xc0: {  	s0 =	sadd.s32 $0x8F2B, s0  }
0xc1: {  	[sflag:s0] =	ssyncadd.remote.s32 $0x1  }
0xc2: {  	_ =	sfence.sel $0xFFFF  }
0xc3: {  	[dreg:$0x0] =	wrdreg $0xFFFFFFFF;
	(pc) =	sbr.abs _section_cstart, $3  }
0xc4: {  	[dreg:$0x1] =	wrdreg $0xFFFFFFFF  }
0xc5: {  	_ =	task.clear_ibuf [dreg:s9], $0x2FFFF;
	_ =	strace $0x9FFFFFFF  }
0xc6: {  	(tm) =	ssettm $0x7FFFFFFF  }
0xc7: {  	_ =	shalt  }
tec
execute0_lowered:
.L_overlay_start_1:
0x0: {  	(tag) =	ssettag $0x1  }
0x1: {  	s0 =	rddreg [dreg:$0x0]  }
0x2: {  	s2 =	rddreg [dreg:$0x1]  }
0x3: {  	s4 =	rddreg [dreg:$0x2]  }
0x4: {  	s5 =	rddreg [dreg:$0x3]  }
0x5: {  	s1 =	simm.s32 $0x0;
	s6 =	srdreg.scid;
	s9 =	stileid.u32  }
0x6: {  	s10 =	simm.s32 $0x80;
	s11 =	simm.s32 $0x400;
	s12 =	simm.s32 $0x1  }
0x7: {  	s13 =	simm.s32 $0x2;
	s14 =	simm.s32 $0x10400;
	s6 =	sand.u32 $0x1, s6  }
0x8: {  	s9 =	sshll.u32 s9, $0x7;
	s7 =	ssub.s32 $0x2, s6;
	s6 =	sshll.u32 s6, $0x6  }
0x9: {  	s16 =	simm.s32 $0x0;
	[smem:$0x7FF] =	sst s1;
	s28 =	sor.u32 s6, s9  }
0xa: {  	_ =	strace $0x80000047;
	s8 =	sshrl.u32 s7, $0x1;
	s0 =	sadd.s32 s0, s28  }
0xb: {  	s5 =	sadd.s32 s5, s6;
	s29 =	sadd.s32 s2, s28;
	[dreg:$0x5] =	wrdreg s0  }
0xc: {  	v0 =	vlaneseq.u32;
	s8 =	ssub.s32 s7, s8;
	s30 =	sadd.s32 s9, s5;
	[dreg:$0x6] =	wrdreg s29  }
0xd: {  	s3 =	sadd.s32 $0x400, s4;
	v0 =	vmul.u32 $0x10, v0;
	[dreg:$0x7] =	wrdreg s30;
	s31 =	smax.u32 s8, $0x1  }
0xe: {  	s4 =	sadd.s32 $0xF42800, s4;
	s2 =	simm.s32 $0x3;
	[dreg:$0x8] =	wrdreg s31  }
.LBB2_1:
0xf: {  	s0 =	rddreg [dreg:$0x5]  }
0x10: {  	[tilespmem:s1], [sflag:$0x3] =	stream.linear.gather [hbm4b:s0+s1], $0x200, $0x38;
	[tilespmem:$0x12600] =	vst v63  }
0x11: {  	_ =	swait.ge [sflag:s2], $0x200  }
0x12: {  	[sflag:s2] =	ssyncset.done $0x0  }
0x13: {  	s17 =	simm.s32 $0x200;
	s22 =	rddreg [dreg:$0x6];
	[sflag:s2] =	ssyncadd.s32 $0xFFFFFE00  }
0x14: {  	[tilespmem:s17], [sflag:$0x3] =	stream.linear.gather [hbm4b:s22+s1], $0x200, $0x38;
	[tilespmem:$0x12600] =	vst v63  }
0x15: {  	_ =	swait.ge [sflag:s2], $0x200  }
0x16: {  	[sflag:s2] =	ssyncset.done $0x0  }
0x17: {  	[sflag:s2] =	ssyncadd.s32 $0xFFFFFE00  }
0x18: {  	v1 =	vld [tilespmem:s1+$0x0];
	_ =	sdelay $0x4  }
0x19: {  	v2 =	vshll.u32 v1, $0x4  }
0x1a: {  	v1 =	vld [tilespmem:s17+$0x0];
	(v2sf) =	vpush v2, $0x0;
	_ =	sdelay $0x1  }
0x1b: {  	(v2sf) =	vpush v2, $0x1;
	_ =	sdelay $0x1  }
0x1c: {  	(v2sf) =	vpush v2, $0x2  }
0x1d: {  	v1 =	vshll.u32 v1, $0x4  }
0x1e: {  	(v2sf) =	vpush v1, $0x0;
	_ =	sdelay $0x5  }
0x1f: {  	(v2sf) =	vpush v1, $0x1;
	_ =	sdelay $0x2  }
0x20: {  	s23 =	spop (v2sf)  }
0x21: {  	s0 =	sand.u32 $0x1FFFFFF0, s23  }
0x22: {  	s5 =	simm.s32 $0x400;
	s24 =	spop (v2sf);
	s0 =	sadd.s32 s3, s0  }
0x23: {  	[tilespmem:s5], [sflag:$0x1] =	stream.strided.gather [hbm4b:s0+s10], $0x0, s11, s10, $0x38;
	[tilespmem:$0x12600] =	vst v63  }
0x24: {  	s6 =	spop (v2sf)  }
0x25: {  	(v2sf) =	vpush v1, $0x2;
	[tilespmem:s5], [sflag:$0x1] =	stream.linear.gather [hbm4b:s0+s1], $0x40, $0x38;
	[tilespmem:$0x12600] =	vst v63  }
0x26: {  	s25 =	spop (v2sf)  }
0x27: {  	s0 =	sand.u32 $0x1FFFFFF0, s25  }
0x28: {  	s26 =	simm.s32 $0x8400;
	s0 =	sadd.s32 s4, s0  }
0x29: {  	(v2sf) =	vpush v2, $0x3;
	[tilespmem:s26], [sflag:$0x2] =	stream.strided.gather [hbm4b:s0+s10], $0x0, s11, s10, $0x38;
	[tilespmem:$0x12600] =	vst v63  }
0x2a: {  	s2 =	sand.u32 $0x1FFFFFF0, s24  }
0x2b: {  	[tilespmem:s26], [sflag:$0x2] =	stream.linear.gather [hbm4b:s0+s1], $0x40, $0x38;
	[tilespmem:$0x12600] =	vst v63  }
0x2c: {  	s29 =	simm.s32 $0x440;
	s2 =	sadd.s32 s3, s2;
	s28 =	spop (v2sf)  }
0x2d: {  	(v2sf) =	vpush v1, $0x3;
	[tilespmem:s29], [sflag:$0x1] =	stream.strided.gather [hbm4b:s2+s10], $0x0, s11, s10, $0x38;
	[tilespmem:$0x12600] =	vst v63  }
0x2e: {  	s0 =	sand.u32 $0x1FFFFFF0, s28  }
0x2f: {  	[tilespmem:s29], [sflag:$0x1] =	stream.linear.gather [hbm4b:s2+s1], $0x40, $0x38;
	[tilespmem:$0x12600] =	vst v63  }
0x30: {  	s30 =	simm.s32 $0x8440;
	s0 =	sadd.s32 s4, s0  }
0x31: {  	(v2sf) =	vpush v2, $0x4;
	[tilespmem:s30], [sflag:$0x2] =	stream.strided.gather [hbm4b:s0+s10], $0x0, s11, s10, $0x38;
	[tilespmem:$0x12600] =	vst v63  }
0x32: {  	s31 =	sand.u32 $0x1FFFFFF0, s6  }
0x33: {  	[tilespmem:s30], [sflag:$0x2] =	stream.linear.gather [hbm4b:s0+s1], $0x40, $0x38;
	[tilespmem:$0x12600] =	vst v63  }
0x34: {  	s7 =	simm.s32 $0x480;
	s5 =	sadd.s32 s3, s31;
	s6 =	spop (v2sf)  }
0x35: {  	(v2sf) =	vpush v1, $0x4;
	[tilespmem:s7], [sflag:$0x1] =	stream.strided.gather [hbm4b:s5+s10], $0x0, s11, s10, $0x38;
	[tilespmem:$0x12600] =	vst v63  }
0x36: {  	s0 =	sand.u32 $0x1FFFFFF0, s6  }
0x37: {  	[tilespmem:s7], [sflag:$0x1] =	stream.linear.gather [hbm4b:s5+s1], $0x40, $0x38;
	[tilespmem:$0x12600] =	vst v63  }
0x38: {  	s9 =	simm.s32 $0x8480;
	s8 =	spop (v2sf);
	s0 =	sadd.s32 s4, s0  }
0x39: {  	(v2sf) =	vpush v2, $0x5;
	[tilespmem:s9], [sflag:$0x2] =	stream.strided.gather [hbm4b:s0+s10], $0x0, s11, s10, $0x38;
	[tilespmem:$0x12600] =	vst v63  }
0x3a: {  	s2 =	sand.u32 $0x1FFFFFF0, s8  }
0x3b: {  	[tilespmem:s9], [sflag:$0x2] =	stream.linear.gather [hbm4b:s0+s1], $0x40, $0x38;
	[tilespmem:$0x12600] =	vst v63  }
0x3c: {  	s18 =	simm.s32 $0x4C0;
	s15 =	spop (v2sf);
	s2 =	sadd.s32 s3, s2  }
0x3d: {  	(v2sf) =	vpush v1, $0x5;
	[tilespmem:s18], [sflag:$0x1] =	stream.strided.gather [hbm4b:s2+s10], $0x0, s11, s10, $0x38;
	[tilespmem:$0x12600] =	vst v63  }
0x3e: {  	s0 =	sand.u32 $0x1FFFFFF0, s15  }
0x3f: {  	[tilespmem:s18], [sflag:$0x1] =	stream.linear.gather [hbm4b:s2+s1], $0x40, $0x38;
	[tilespmem:$0x12600] =	vst v63  }
0x40: {  	s20 =	simm.s32 $0x84C0;
	s19 =	spop (v2sf);
	s0 =	sadd.s32 s4, s0  }
0x41: {  	(v2sf) =	vpush v2, $0x6;
	[tilespmem:s20], [sflag:$0x2] =	stream.strided.gather [hbm4b:s0+s10], $0x0, s11, s10, $0x38;
	[tilespmem:$0x12600] =	vst v63  }
0x42: {  	s2 =	sand.u32 $0x1FFFFFF0, s19  }
0x43: {  	[tilespmem:s20], [sflag:$0x2] =	stream.linear.gather [hbm4b:s0+s1], $0x40, $0x38;
	[tilespmem:$0x12600] =	vst v63  }
0x44: {  	s22 =	simm.s32 $0x500;
	s21 =	spop (v2sf);
	s2 =	sadd.s32 s3, s2  }
0x45: {  	(v2sf) =	vpush v1, $0x6;
	[tilespmem:s22], [sflag:$0x1] =	stream.strided.gather [hbm4b:s2+s10], $0x0, s11, s10, $0x38;
	[tilespmem:$0x12600] =	vst v63  }
0x46: {  	s0 =	sand.u32 $0x1FFFFFF0, s21  }
0x47: {  	[tilespmem:s22], [sflag:$0x1] =	stream.linear.gather [hbm4b:s2+s1], $0x40, $0x38;
	[tilespmem:$0x12600] =	vst v63  }
0x48: {  	s24 =	simm.s32 $0x8500;
	s23 =	spop (v2sf);
	s0 =	sadd.s32 s4, s0  }
0x49: {  	(v2sf) =	vpush v2, $0x7;
	[tilespmem:s24], [sflag:$0x2] =	stream.strided.gather [hbm4b:s0+s10], $0x0, s11, s10, $0x38;
	[tilespmem:$0x12600] =	vst v63  }
0x4a: {  	s2 =	sand.u32 $0x1FFFFFF0, s23  }
0x4b: {  	[tilespmem:s24], [sflag:$0x2] =	stream.linear.gather [hbm4b:s0+s1], $0x40, $0x38;
	[tilespmem:$0x12600] =	vst v63  }
0x4c: {  	s26 =	simm.s32 $0x540;
	s25 =	spop (v2sf);
	s2 =	sadd.s32 s3, s2  }
0x4d: {  	(v2sf) =	vpush v1, $0x7;
	[tilespmem:s26], [sflag:$0x1] =	stream.strided.gather [hbm4b:s2+s10], $0x0, s11, s10, $0x38;
	[tilespmem:$0x12600] =	vst v63  }
0x4e: {  	s0 =	sand.u32 $0x1FFFFFF0, s25  }
0x4f: {  	[tilespmem:s26], [sflag:$0x1] =	stream.linear.gather [hbm4b:s2+s1], $0x40, $0x38;
	[tilespmem:$0x12600] =	vst v63  }
0x50: {  	s29 =	simm.s32 $0x8540;
	s28 =	spop (v2sf);
	s0 =	sadd.s32 s4, s0  }
0x51: {  	(v2sf) =	vpush v2, $0x8;
	[tilespmem:s29], [sflag:$0x2] =	stream.strided.gather [hbm4b:s0+s10], $0x0, s11, s10, $0x38;
	[tilespmem:$0x12600] =	vst v63  }
0x52: {  	s2 =	sand.u32 $0x1FFFFFF0, s28  }
0x53: {  	[tilespmem:s29], [sflag:$0x2] =	stream.linear.gather [hbm4b:s0+s1], $0x40, $0x38;
	[tilespmem:$0x12600] =	vst v63  }
0x54: {  	s31 =	simm.s32 $0x580;
	s30 =	spop (v2sf);
	s2 =	sadd.s32 s3, s2  }
0x55: {  	(v2sf) =	vpush v1, $0x8;
	[tilespmem:s31], [sflag:$0x1] =	stream.strided.gather [hbm4b:s2+s10], $0x0, s11, s10, $0x38;
	[tilespmem:$0x12600] =	vst v63  }
0x56: {  	s0 =	sand.u32 $0x1FFFFFF0, s30  }
0x57: {  	[tilespmem:s31], [sflag:$0x1] =	stream.linear.gather [hbm4b:s2+s1], $0x40, $0x38;
	[tilespmem:$0x12600] =	vst v63  }
0x58: {  	s7 =	simm.s32 $0x8580;
	s6 =	spop (v2sf);
	s0 =	sadd.s32 s4, s0  }
0x59: {  	(v2sf) =	vpush v2, $0x9;
	[tilespmem:s7], [sflag:$0x2] =	stream.strided.gather [hbm4b:s0+s10], $0x0, s11, s10, $0x38;
	[tilespmem:$0x12600] =	vst v63  }
0x5a: {  	s2 =	sand.u32 $0x1FFFFFF0, s6  }
0x5b: {  	[tilespmem:s7], [sflag:$0x2] =	stream.linear.gather [hbm4b:s0+s1], $0x40, $0x38;
	[tilespmem:$0x12600] =	vst v63  }
0x5c: {  	s9 =	simm.s32 $0x5C0;
	s8 =	spop (v2sf);
	s2 =	sadd.s32 s3, s2  }
0x5d: {  	(v2sf) =	vpush v1, $0x9;
	[tilespmem:s9], [sflag:$0x1] =	stream.strided.gather [hbm4b:s2+s10], $0x0, s11, s10, $0x38;
	[tilespmem:$0x12600] =	vst v63  }
0x5e: {  	s0 =	sand.u32 $0x1FFFFFF0, s8  }
0x5f: {  	[tilespmem:s9], [sflag:$0x1] =	stream.linear.gather [hbm4b:s2+s1], $0x40, $0x38;
	[tilespmem:$0x12600] =	vst v63  }
0x60: {  	s18 =	simm.s32 $0x85C0;
	s15 =	spop (v2sf);
	s0 =	sadd.s32 s4, s0  }
0x61: {  	(v2sf) =	vpush v2, $0xA;
	[tilespmem:s18], [sflag:$0x2] =	stream.strided.gather [hbm4b:s0+s10], $0x0, s11, s10, $0x38;
	[tilespmem:$0x12600] =	vst v63  }
0x62: {  	s2 =	sand.u32 $0x1FFFFFF0, s15  }
0x63: {  	[tilespmem:s18], [sflag:$0x2] =	stream.linear.gather [hbm4b:s0+s1], $0x40, $0x38;
	[tilespmem:$0x12600] =	vst v63  }
0x64: {  	s20 =	simm.s32 $0x600;
	s19 =	spop (v2sf);
	s2 =	sadd.s32 s3, s2  }
0x65: {  	(v2sf) =	vpush v1, $0xA;
	[tilespmem:s20], [sflag:$0x1] =	stream.strided.gather [hbm4b:s2+s10], $0x0, s11, s10, $0x38;
	[tilespmem:$0x12600] =	vst v63  }
0x66: {  	s0 =	sand.u32 $0x1FFFFFF0, s19  }
0x67: {  	[tilespmem:s20], [sflag:$0x1] =	stream.linear.gather [hbm4b:s2+s1], $0x40, $0x38;
	[tilespmem:$0x12600] =	vst v63  }
0x68: {  	s22 =	simm.s32 $0x8600;
	s21 =	spop (v2sf);
	s0 =	sadd.s32 s4, s0  }
0x69: {  	(v2sf) =	vpush v2, $0xB;
	[tilespmem:s22], [sflag:$0x2] =	stream.strided.gather [hbm4b:s0+s10], $0x0, s11, s10, $0x38;
	[tilespmem:$0x12600] =	vst v63  }
0x6a: {  	s2 =	sand.u32 $0x1FFFFFF0, s21  }
0x6b: {  	[tilespmem:s22], [sflag:$0x2] =	stream.linear.gather [hbm4b:s0+s1], $0x40, $0x38;
	[tilespmem:$0x12600] =	vst v63  }
0x6c: {  	s24 =	simm.s32 $0x640;
	s23 =	spop (v2sf);
	s2 =	sadd.s32 s3, s2  }
0x6d: {  	(v2sf) =	vpush v1, $0xB;
	[tilespmem:s24], [sflag:$0x1] =	stream.strided.gather [hbm4b:s2+s10], $0x0, s11, s10, $0x38;
	[tilespmem:$0x12600] =	vst v63  }
0x6e: {  	s0 =	sand.u32 $0x1FFFFFF0, s23  }
0x6f: {  	[tilespmem:s24], [sflag:$0x1] =	stream.linear.gather [hbm4b:s2+s1], $0x40, $0x38;
	[tilespmem:$0x12600] =	vst v63  }
0x70: {  	s26 =	simm.s32 $0x8640;
	s25 =	spop (v2sf);
	s0 =	sadd.s32 s4, s0  }
0x71: {  	(v2sf) =	vpush v2, $0xC;
	[tilespmem:s26], [sflag:$0x2] =	stream.strided.gather [hbm4b:s0+s10], $0x0, s11, s10, $0x38;
	[tilespmem:$0x12600] =	vst v63  }
0x72: {  	s2 =	sand.u32 $0x1FFFFFF0, s25  }
0x73: {  	[tilespmem:s26], [sflag:$0x2] =	stream.linear.gather [hbm4b:s0+s1], $0x40, $0x38;
	[tilespmem:$0x12600] =	vst v63  }
0x74: {  	s29 =	simm.s32 $0x680;
	s28 =	spop (v2sf);
	s2 =	sadd.s32 s3, s2  }
0x75: {  	(v2sf) =	vpush v1, $0xC;
	[tilespmem:s29], [sflag:$0x1] =	stream.strided.gather [hbm4b:s2+s10], $0x0, s11, s10, $0x38;
	[tilespmem:$0x12600] =	vst v63  }
0x76: {  	s0 =	sand.u32 $0x1FFFFFF0, s28  }
0x77: {  	[tilespmem:s29], [sflag:$0x1] =	stream.linear.gather [hbm4b:s2+s1], $0x40, $0x38;
	[tilespmem:$0x12600] =	vst v63  }
0x78: {  	s31 =	simm.s32 $0x8680;
	s30 =	spop (v2sf);
	s0 =	sadd.s32 s4, s0  }
0x79: {  	(v2sf) =	vpush v2, $0xD;
	[tilespmem:s31], [sflag:$0x2] =	stream.strided.gather [hbm4b:s0+s10], $0x0, s11, s10, $0x38;
	[tilespmem:$0x12600] =	vst v63  }
0x7a: {  	s2 =	sand.u32 $0x1FFFFFF0, s30  }
0x7b: {  	[tilespmem:s31], [sflag:$0x2] =	stream.linear.gather [hbm4b:s0+s1], $0x40, $0x38;
	[tilespmem:$0x12600] =	vst v63  }
0x7c: {  	s6 =	simm.s32 $0x6C0;
	s5 =	spop (v2sf);
	s2 =	sadd.s32 s3, s2  }
0x7d: {  	(v2sf) =	vpush v1, $0xD;
	[tilespmem:s6], [sflag:$0x1] =	stream.strided.gather [hbm4b:s2+s10], $0x0, s11, s10, $0x38;
	[tilespmem:$0x12600] =	vst v63  }
0x7e: {  	s0 =	sand.u32 $0x1FFFFFF0, s5  }
0x7f: {  	[tilespmem:s6], [sflag:$0x1] =	stream.linear.gather [hbm4b:s2+s1], $0x40, $0x38;
	[tilespmem:$0x12600] =	vst v63  }
0x80: {  	s8 =	simm.s32 $0x86C0;
	s7 =	spop (v2sf);
	s0 =	sadd.s32 s4, s0  }
0x81: {  	(v2sf) =	vpush v2, $0xE;
	[tilespmem:s8], [sflag:$0x2] =	stream.strided.gather [hbm4b:s0+s10], $0x0, s11, s10, $0x38;
	[tilespmem:$0x12600] =	vst v63  }
0x82: {  	s2 =	sand.u32 $0x1FFFFFF0, s7  }
0x83: {  	[tilespmem:s8], [sflag:$0x2] =	stream.linear.gather [hbm4b:s0+s1], $0x40, $0x38;
	[tilespmem:$0x12600] =	vst v63  }
0x84: {  	s15 =	simm.s32 $0x700;
	s9 =	spop (v2sf);
	s2 =	sadd.s32 s3, s2  }
0x85: {  	(v2sf) =	vpush v1, $0xE;
	[tilespmem:s15], [sflag:$0x1] =	stream.strided.gather [hbm4b:s2+s10], $0x0, s11, s10, $0x38;
	[tilespmem:$0x12600] =	vst v63  }
0x86: {  	s0 =	sand.u32 $0x1FFFFFF0, s9  }
0x87: {  	[tilespmem:s15], [sflag:$0x1] =	stream.linear.gather [hbm4b:s2+s1], $0x40, $0x38;
	[tilespmem:$0x12600] =	vst v63  }
0x88: {  	s19 =	simm.s32 $0x8700;
	s18 =	spop (v2sf);
	s0 =	sadd.s32 s4, s0  }
0x89: {  	(v2sf) =	vpush v2, $0xF;
	[tilespmem:s19], [sflag:$0x2] =	stream.strided.gather [hbm4b:s0+s10], $0x0, s11, s10, $0x38;
	[tilespmem:$0x12600] =	vst v63  }
0x8a: {  	s2 =	sand.u32 $0x1FFFFFF0, s18  }
0x8b: {  	[tilespmem:s19], [sflag:$0x2] =	stream.linear.gather [hbm4b:s0+s1], $0x40, $0x38;
	[tilespmem:$0x12600] =	vst v63  }
0x8c: {  	s21 =	simm.s32 $0x740;
	s20 =	spop (v2sf);
	s2 =	sadd.s32 s3, s2  }
0x8d: {  	(v2sf) =	vpush v1, $0xF;
	[tilespmem:s21], [sflag:$0x1] =	stream.strided.gather [hbm4b:s2+s10], $0x0, s11, s10, $0x38;
	[tilespmem:$0x12600] =	vst v63  }
0x8e: {  	s0 =	sand.u32 $0x1FFFFFF0, s20  }
0x8f: {  	[tilespmem:s21], [sflag:$0x1] =	stream.linear.gather [hbm4b:s2+s1], $0x40, $0x38;
	[tilespmem:$0x12600] =	vst v63  }
0x90: {  	s23 =	simm.s32 $0x8740;
	s22 =	spop (v2sf);
	s0 =	sadd.s32 s4, s0  }
0x91: {  	[tilespmem:s23], [sflag:$0x2] =	stream.strided.gather [hbm4b:s0+s10], $0x0, s11, s10, $0x38;
	[tilespmem:$0x12600] =	vst v63  }
0x92: {  	s2 =	sand.u32 $0x1FFFFFF0, s22  }
0x93: {  	[tilespmem:s23], [sflag:$0x2] =	stream.linear.gather [hbm4b:s0+s1], $0x40, $0x38;
	[tilespmem:$0x12600] =	vst v63  }
0x94: {  	s25 =	simm.s32 $0x780;
	s24 =	spop (v2sf);
	s2 =	sadd.s32 s3, s2  }
0x95: {  	[tilespmem:s25], [sflag:$0x1] =	stream.strided.gather [hbm4b:s2+s10], $0x0, s11, s10, $0x38;
	[tilespmem:$0x12600] =	vst v63  }
0x96: {  	s0 =	sand.u32 $0x1FFFFFF0, s24  }
0x97: {  	[tilespmem:s25], [sflag:$0x1] =	stream.linear.gather [hbm4b:s2+s1], $0x40, $0x38;
	[tilespmem:$0x12600] =	vst v63  }
0x98: {  	s28 =	simm.s32 $0x8780;
	s26 =	spop (v2sf);
	s0 =	sadd.s32 s4, s0  }
0x99: {  	[tilespmem:s28], [sflag:$0x2] =	stream.strided.gather [hbm4b:s0+s10], $0x0, s11, s10, $0x38;
	[tilespmem:$0x12600] =	vst v63  }
0x9a: {  	s2 =	sand.u32 $0x1FFFFFF0, s26  }
0x9b: {  	[tilespmem:s28], [sflag:$0x2] =	stream.linear.gather [hbm4b:s0+s1], $0x40, $0x38;
	[tilespmem:$0x12600] =	vst v63  }
0x9c: {  	s30 =	simm.s32 $0x7C0;
	s29 =	spop (v2sf);
	s2 =	sadd.s32 s3, s2  }
0x9d: {  	[tilespmem:s30], [sflag:$0x1] =	stream.strided.gather [hbm4b:s2+s10], $0x0, s11, s10, $0x38;
	[tilespmem:$0x12600] =	vst v63  }
0x9e: {  	s18 =	simm.s32 $0x1000;
	s31 =	sand.u32 $0x1FFFFFF0, s29  }
0x9f: {  	[tilespmem:s30], [sflag:$0x1] =	stream.linear.gather [hbm4b:s2+s1], $0x40, $0x38;
	[tilespmem:$0x12600] =	vst v63  }
0xa0: {  	s19 =	simm.s32 $0x0;
	s0 =	simm.s32 $0x87C0;
	s2 =	sadd.s32 s4, s31  }
0xa1: {  	[tilespmem:s0], [sflag:$0x2] =	stream.strided.gather [hbm4b:s2+s10], $0x0, s11, s10, $0x38;
	[tilespmem:$0x12600] =	vst v63  }
.LBB2_2:
0xa2: {  	p0 =	sne.s32 s18, $0x1F000;
	s19 =	sadd.s32 $0x10, s19;
	s17 =	sadd.s32 $0x10, s17  }
0xa3: {  	[tilespmem:s0], [sflag:$0x2] =	stream.linear.gather [hbm4b:s2+s1], $0x40, $0x38;
	[tilespmem:$0x12600] =	vst v63  }
0xa4: {  	s0 =	smov.u32 s18;
	s18 =	sadd.s32 $0x1000, s18;
	v1 =	vld [tilespmem:s19+$0x0];
	_ =	sdelay $0x3  }
0xa5: {  	v2 =	vld [tilespmem:s17+$0x0]  }
0xa6: {  	v1 =	vshll.u32 v1, $0x4  }
0xa7: {  	(v2sf) =	vpush v1, $0x0  }
0xa8: {  	(v2sf) =	vpush v1, $0x1  }
0xa9: {  	(v2sf) =	vpush v1, $0x2  }
0xaa: {  	v2 =	vshll.u32 v2, $0x4  }
0xab: {  	(v2sf) =	vpush v2, $0x0;
	_ =	sdelay $0x1  }
0xac: {  	(v2sf) =	vpush v2, $0x1  }
0xad: {  	(v2sf) =	vpush v2, $0x2;
	_ =	sdelay $0x3  }
0xae: {  	(v2sf) =	vpush v1, $0x3;
	_ =	sdelay $0x3  }
0xaf: {  	s2 =	spop (v2sf);
	(v2sf) =	vpush v2, $0x3  }
0xb0: {  	s20 =	sshra.s32 s0, $0x2;
	s0 =	sand.u32 $0x1FFFFFF0, s2;
	s2 =	spop (v2sf)  }
0xb1: {  	s5 =	sadd.s32 $0x400, s20;
	s0 =	sadd.s32 s3, s0;
	s6 =	spop (v2sf)  }
0xb2: {  	[tilespmem:s5], [sflag:$0x1] =	stream.strided.gather [hbm4b:s0+s10], $0x0, s11, s10, $0x38;
	[tilespmem:$0x12600] =	vst v63  }
0xb3: {  	s2 =	sand.u32 $0x1FFFFFF0, s2;
	s6 =	sand.u32 $0x1FFFFFF0, s6;
	s15 =	spop (v2sf);
	(v2sf) =	vpush v1, $0x4  }
0xb4: {  	[tilespmem:s5], [sflag:$0x1] =	stream.linear.gather [hbm4b:s0+s1], $0x40, $0x38;
	[tilespmem:$0x12600] =	vst v63  }
0xb5: {  	s0 =	sadd.s32 $0x8400, s20;
	s5 =	sand.u32 $0x1FFFFFF0, s15;
	s15 =	spop (v2sf);
	(v2sf) =	vpush v2, $0x4  }
0xb6: {  	s5 =	sadd.s32 s4, s5;
	s15 =	sand.u32 $0x1FFFFFF0, s15;
	s21 =	spop (v2sf)  }
0xb7: {  	[tilespmem:s0], [sflag:$0x2] =	stream.strided.gather [hbm4b:s5+s10], $0x0, s11, s10, $0x38;
	(v2sf) =	vpush v1, $0x5;
	[tilespmem:$0x12600] =	vst v63  }
0xb8: {  	s22 =	sadd.s32 $0x440, s20;
	s2 =	sadd.s32 s3, s2;
	s21 =	sand.u32 $0x1FFFFFF0, s21  }
0xb9: {  	[tilespmem:s0], [sflag:$0x2] =	stream.linear.gather [hbm4b:s5+s1], $0x40, $0x38;
	(v2sf) =	vpush v2, $0x5;
	[tilespmem:$0x12600] =	vst v63  }
0xba: {  	s0 =	spop (v2sf)  }
0xbb: {  	[tilespmem:s22], [sflag:$0x1] =	stream.strided.gather [hbm4b:s2+s10], $0x0, s11, s10, $0x38;
	(v2sf) =	vpush v1, $0x6;
	[tilespmem:$0x12600] =	vst v63  }
0xbc: {  	s15 =	sadd.s32 s4, s15;
	s5 =	sadd.s32 $0x8440, s20;
	s0 =	sand.u32 $0x1FFFFFF0, s0  }
0xbd: {  	[tilespmem:s22], [sflag:$0x1] =	stream.linear.gather [hbm4b:s2+s1], $0x40, $0x38;
	(v2sf) =	vpush v2, $0x6;
	[tilespmem:$0x12600] =	vst v63  }
0xbe: {  	s2 =	spop (v2sf)  }
0xbf: {  	[tilespmem:s5], [sflag:$0x2] =	stream.strided.gather [hbm4b:s15+s10], $0x0, s11, s10, $0x38;
	(v2sf) =	vpush v1, $0x7;
	[tilespmem:$0x12600] =	vst v63  }
0xc0: {  	s6 =	sadd.s32 s3, s6;
	s22 =	sadd.s32 $0x480, s20;
	s2 =	sand.u32 $0x1FFFFFF0, s2  }
0xc1: {  	[tilespmem:s5], [sflag:$0x2] =	stream.linear.gather [hbm4b:s15+s1], $0x40, $0x38;
	(v2sf) =	vpush v2, $0x7;
	[tilespmem:$0x12600] =	vst v63  }
0xc2: {  	s5 =	spop (v2sf)  }
0xc3: {  	[tilespmem:s22], [sflag:$0x1] =	stream.strided.gather [hbm4b:s6+s10], $0x0, s11, s10, $0x38;
	(v2sf) =	vpush v1, $0x8;
	[tilespmem:$0x12600] =	vst v63  }
0xc4: {  	s21 =	sadd.s32 s4, s21;
	s15 =	sadd.s32 $0x8480, s20;
	s23 =	spop (v2sf)  }
0xc5: {  	[tilespmem:s22], [sflag:$0x1] =	stream.linear.gather [hbm4b:s6+s1], $0x40, $0x38;
	(v2sf) =	vpush v2, $0x8;
	[tilespmem:$0x12600] =	vst v63  }
0xc6: {  	s6 =	sand.u32 $0x1FFFFFF0, s5;
	s22 =	sand.u32 $0x1FFFFFF0, s23;
	s5 =	spop (v2sf)  }
0xc7: {  	[tilespmem:s15], [sflag:$0x2] =	stream.strided.gather [hbm4b:s21+s10], $0x0, s11, s10, $0x38;
	(v2sf) =	vpush v1, $0x9;
	[tilespmem:$0x12600] =	vst v63  }
0xc8: {  	s0 =	sadd.s32 s3, s0;
	s23 =	sadd.s32 $0x4C0, s20;
	s24 =	spop (v2sf)  }
0xc9: {  	[tilespmem:s15], [sflag:$0x2] =	stream.linear.gather [hbm4b:s21+s1], $0x40, $0x38;
	(v2sf) =	vpush v2, $0x9;
	[tilespmem:$0x12600] =	vst v63  }
0xca: {  	s25 =	sand.u32 $0x1FFFFFF0, s5;
	s5 =	sand.u32 $0x1FFFFFF0, s24;
	s15 =	spop (v2sf)  }
0xcb: {  	[tilespmem:s23], [sflag:$0x1] =	stream.strided.gather [hbm4b:s0+s10], $0x0, s11, s10, $0x38;
	(v2sf) =	vpush v1, $0xA;
	[tilespmem:$0x12600] =	vst v63  }
0xcc: {  	s2 =	sadd.s32 s4, s2;
	s21 =	sadd.s32 $0x84C0, s20;
	s24 =	spop (v2sf)  }
0xcd: {  	[tilespmem:s23], [sflag:$0x1] =	stream.linear.gather [hbm4b:s0+s1], $0x40, $0x38;
	(v2sf) =	vpush v2, $0xA;
	[tilespmem:$0x12600] =	vst v63  }
0xce: {  	s15 =	sand.u32 $0x1FFFFFF0, s15;
	s23 =	sand.u32 $0x1FFFFFF0, s24;
	s0 =	spop (v2sf)  }
0xcf: {  	[tilespmem:s21], [sflag:$0x2] =	stream.strided.gather [hbm4b:s2+s10], $0x0, s11, s10, $0x38;
	(v2sf) =	vpush v1, $0xB;
	[tilespmem:$0x12600] =	vst v63  }
0xd0: {  	s26 =	sadd.s32 $0x500, s20;
	s6 =	sadd.s32 s3, s6;
	s28 =	spop (v2sf)  }
0xd1: {  	[tilespmem:s21], [sflag:$0x2] =	stream.linear.gather [hbm4b:s2+s1], $0x40, $0x38;
	(v2sf) =	vpush v2, $0xB;
	[tilespmem:$0x12600] =	vst v63  }
0xd2: {  	s24 =	sand.u32 $0x1FFFFFF0, s0;
	s21 =	sand.u32 $0x1FFFFFF0, s28;
	s0 =	spop (v2sf)  }
0xd3: {  	[tilespmem:s26], [sflag:$0x1] =	stream.strided.gather [hbm4b:s6+s10], $0x0, s11, s10, $0x38;
	(v2sf) =	vpush v1, $0xC;
	[tilespmem:$0x12600] =	vst v63  }
0xd4: {  	s29 =	sadd.s32 s4, s22;
	s28 =	sadd.s32 $0x8500, s20;
	s2 =	spop (v2sf)  }
0xd5: {  	[tilespmem:s26], [sflag:$0x1] =	stream.linear.gather [hbm4b:s6+s1], $0x40, $0x38;
	(v2sf) =	vpush v2, $0xC;
	[tilespmem:$0x12600] =	vst v63  }
0xd6: {  	s22 =	sand.u32 $0x1FFFFFF0, s0;
	s2 =	sand.u32 $0x1FFFFFF0, s2;
	s0 =	spop (v2sf)  }
0xd7: {  	[tilespmem:s28], [sflag:$0x2] =	stream.strided.gather [hbm4b:s29+s10], $0x0, s11, s10, $0x38;
	(v2sf) =	vpush v1, $0xD;
	[tilespmem:$0x12600] =	vst v63  }
0xd8: {  	s25 =	sadd.s32 s3, s25;
	s26 =	sadd.s32 $0x540, s20;
	s30 =	spop (v2sf)  }
0xd9: {  	[tilespmem:s28], [sflag:$0x2] =	stream.linear.gather [hbm4b:s29+s1], $0x40, $0x38;
	(v2sf) =	vpush v2, $0xD;
	[tilespmem:$0x12600] =	vst v63  }
0xda: {  	s6 =	sand.u32 $0x1FFFFFF0, s0;
	s0 =	sand.u32 $0x1FFFFFF0, s30;
	s28 =	spop (v2sf)  }
0xdb: {  	[tilespmem:s26], [sflag:$0x1] =	stream.strided.gather [hbm4b:s25+s10], $0x0, s11, s10, $0x38;
	(v2sf) =	vpush v1, $0xE;
	[tilespmem:$0x12600] =	vst v63  }
0xdc: {  	s31 =	sadd.s32 s4, s5;
	s29 =	sadd.s32 $0x8540, s20;
	s30 =	spop (v2sf)  }
0xdd: {  	[tilespmem:s26], [sflag:$0x1] =	stream.linear.gather [hbm4b:s25+s1], $0x40, $0x38;
	[tilespmem:$0x12600] =	vst v63  }
0xde: {  	s5 =	sand.u32 $0x1FFFFFF0, s28;
	s30 =	sand.u32 $0x1FFFFFF0, s30;
	s25 =	spop (v2sf)  }
0xdf: {  	[tilespmem:s29], [sflag:$0x2] =	stream.strided.gather [hbm4b:s31+s10], $0x0, s11, s10, $0x38;
	(v2sf) =	vpush v2, $0xE;
	[tilespmem:$0x12600] =	vst v63  }
0xe0: {  	s7 =	sadd.s32 s3, s15;
	s26 =	sadd.s32 $0x580, s20;
	s28 =	spop (v2sf)  }
0xe1: {  	[tilespmem:s29], [sflag:$0x2] =	stream.linear.gather [hbm4b:s31+s1], $0x40, $0x38;
	(v2sf) =	vpush v1, $0xF;
	[tilespmem:$0x12600] =	vst v63  }
0xe2: {  	s15 =	sand.u32 $0x1FFFFFF0, s25;
	s28 =	sand.u32 $0x1FFFFFF0, s28;
	s25 =	spop (v2sf)  }
0xe3: {  	[tilespmem:s26], [sflag:$0x1] =	stream.strided.gather [hbm4b:s7+s10], $0x0, s11, s10, $0x38;
	(v2sf) =	vpush v2, $0xF;
	[tilespmem:$0x12600] =	vst v63  }
0xe4: {  	s23 =	sadd.s32 s4, s23;
	s29 =	sadd.s32 $0x8580, s20;
	s8 =	spop (v2sf)  }
0xe5: {  	[tilespmem:s26], [sflag:$0x1] =	stream.linear.gather [hbm4b:s7+s1], $0x40, $0x38;
	[tilespmem:$0x12600] =	vst v63  }
0xe6: {  	s31 =	sand.u32 $0x1FFFFFF0, s25;
	s26 =	sand.u32 $0x1FFFFFF0, s8;
	s7 =	spop (v2sf)  }
0xe7: {  	[tilespmem:s29], [sflag:$0x2] =	stream.strided.gather [hbm4b:s23+s10], $0x0, s11, s10, $0x38;
	[tilespmem:$0x12600] =	vst v63  }
0xe8: {  	s24 =	sadd.s32 s3, s24;
	s8 =	sadd.s32 $0x5C0, s20;
	s25 =	spop (v2sf)  }
0xe9: {  	[tilespmem:s29], [sflag:$0x2] =	stream.linear.gather [hbm4b:s23+s1], $0x40, $0x38;
	[tilespmem:$0x12600] =	vst v63  }
0xea: {  	s29 =	sand.u32 $0x1FFFFFF0, s7;
	s25 =	sand.u32 $0x1FFFFFF0, s25;
	s7 =	spop (v2sf)  }
0xeb: {  	[tilespmem:s8], [sflag:$0x1] =	stream.strided.gather [hbm4b:s24+s10], $0x0, s11, s10, $0x38;
	[tilespmem:$0x12600] =	vst v63  }
0xec: {  	s9 =	sadd.s32 $0x85C0, s20;
	s21 =	sadd.s32 s4, s21;
	s23 =	sand.u32 $0x1FFFFFF0, s7  }
0xed: {  	[tilespmem:s8], [sflag:$0x1] =	stream.linear.gather [hbm4b:s24+s1], $0x40, $0x38;
	[tilespmem:$0x12600] =	vst v63  }
0xee: {  	s24 =	spop (v2sf)  }
0xef: {  	[tilespmem:s9], [sflag:$0x2] =	stream.strided.gather [hbm4b:s21+s10], $0x0, s11, s10, $0x38;
	[tilespmem:$0x12600] =	vst v63  }
0xf0: {  	s7 =	sadd.s32 $0x600, s20;
	s8 =	sadd.s32 s3, s22;
	s22 =	spop (v2sf)  }
0xf1: {  	[tilespmem:s9], [sflag:$0x2] =	stream.linear.gather [hbm4b:s21+s1], $0x40, $0x38;
	[tilespmem:$0x12600] =	vst v63  }
0xf2: {  	s22 =	sand.u32 $0x1FFFFFF0, s22;
	s21 =	spop (v2sf)  }
0xf3: {  	[tilespmem:s7], [sflag:$0x1] =	stream.strided.gather [hbm4b:s8+s10], $0x0, s11, s10, $0x38;
	[tilespmem:$0x12600] =	vst v63  }
0xf4: {  	s2 =	sadd.s32 s4, s2;
	s9 =	sadd.s32 $0x8600, s20  }
0xf5: {  	[tilespmem:s7], [sflag:$0x1] =	stream.linear.gather [hbm4b:s8+s1], $0x40, $0x38;
	[tilespmem:$0x12600] =	vst v63  }
0xf6: {  	_ = 	snop  }
0xf7: {  	[tilespmem:s9], [sflag:$0x2] =	stream.strided.gather [hbm4b:s2+s10], $0x0, s11, s10, $0x38;
	[tilespmem:$0x12600] =	vst v63  }
0xf8: {  	s6 =	sadd.s32 s3, s6;
	s7 =	sadd.s32 $0x640, s20  }
0xf9: {  	[tilespmem:s9], [sflag:$0x2] =	stream.linear.gather [hbm4b:s2+s1], $0x40, $0x38;
	[tilespmem:$0x12600] =	vst v63  }
0xfa: {  	_ = 	snop  }
0xfb: {  	[tilespmem:s7], [sflag:$0x1] =	stream.strided.gather [hbm4b:s6+s10], $0x0, s11, s10, $0x38;
	[tilespmem:$0x12600] =	vst v63  }
0xfc: {  	s0 =	sadd.s32 s4, s0;
	s2 =	sadd.s32 $0x8640, s20  }
0xfd: {  	[tilespmem:s7], [sflag:$0x1] =	stream.linear.gather [hbm4b:s6+s1], $0x40, $0x38;
	[tilespmem:$0x12600] =	vst v63  }
0xfe: {  	_ = 	snop  }
0xff: {  	[tilespmem:s2], [sflag:$0x2] =	stream.strided.gather [hbm4b:s0+s10], $0x0, s11, s10, $0x38;
	[tilespmem:$0x12600] =	vst v63  }
0x100: {  	s5 =	sadd.s32 s3, s5;
	s6 =	sadd.s32 $0x680, s20  }
0x101: {  	[tilespmem:s2], [sflag:$0x2] =	stream.linear.gather [hbm4b:s0+s1], $0x40, $0x38;
	[tilespmem:$0x12600] =	vst v63  }
0x102: {  	_ = 	snop  }
0x103: {  	[tilespmem:s6], [sflag:$0x1] =	stream.strided.gather [hbm4b:s5+s10], $0x0, s11, s10, $0x38;
	[tilespmem:$0x12600] =	vst v63  }
0x104: {  	s0 =	sadd.s32 $0x8680, s20;
	s2 =	sadd.s32 s4, s30  }
0x105: {  	[tilespmem:s6], [sflag:$0x1] =	stream.linear.gather [hbm4b:s5+s1], $0x40, $0x38;
	[tilespmem:$0x12600] =	vst v63  }
0x106: {  	_ = 	snop  }
0x107: {  	[tilespmem:s0], [sflag:$0x2] =	stream.strided.gather [hbm4b:s2+s10], $0x0, s11, s10, $0x38;
	[tilespmem:$0x12600] =	vst v63  }
0x108: {  	s5 =	sadd.s32 $0x6C0, s20;
	s6 =	sadd.s32 s3, s15  }
0x109: {  	[tilespmem:s0], [sflag:$0x2] =	stream.linear.gather [hbm4b:s2+s1], $0x40, $0x38;
	[tilespmem:$0x12600] =	vst v63  }
0x10a: {  	_ = 	snop  }
0x10b: {  	[tilespmem:s5], [sflag:$0x1] =	stream.strided.gather [hbm4b:s6+s10], $0x0, s11, s10, $0x38;
	[tilespmem:$0x12600] =	vst v63  }
0x10c: {  	s0 =	sadd.s32 $0x86C0, s20;
	s2 =	sadd.s32 s4, s28  }
0x10d: {  	[tilespmem:s5], [sflag:$0x1] =	stream.linear.gather [hbm4b:s6+s1], $0x40, $0x38;
	[tilespmem:$0x12600] =	vst v63  }
0x10e: {  	_ = 	snop  }
0x10f: {  	[tilespmem:s0], [sflag:$0x2] =	stream.strided.gather [hbm4b:s2+s10], $0x0, s11, s10, $0x38;
	[tilespmem:$0x12600] =	vst v63  }
0x110: {  	s5 =	sadd.s32 $0x700, s20;
	s6 =	sadd.s32 s3, s31  }
0x111: {  	[tilespmem:s0], [sflag:$0x2] =	stream.linear.gather [hbm4b:s2+s1], $0x40, $0x38;
	[tilespmem:$0x12600] =	vst v63  }
0x112: {  	_ = 	snop  }
0x113: {  	[tilespmem:s5], [sflag:$0x1] =	stream.strided.gather [hbm4b:s6+s10], $0x0, s11, s10, $0x38;
	[tilespmem:$0x12600] =	vst v63  }
0x114: {  	s0 =	sadd.s32 $0x8700, s20;
	s2 =	sadd.s32 s4, s26  }
0x115: {  	[tilespmem:s5], [sflag:$0x1] =	stream.linear.gather [hbm4b:s6+s1], $0x40, $0x38;
	[tilespmem:$0x12600] =	vst v63  }
0x116: {  	_ = 	snop  }
0x117: {  	[tilespmem:s0], [sflag:$0x2] =	stream.strided.gather [hbm4b:s2+s10], $0x0, s11, s10, $0x38;
	[tilespmem:$0x12600] =	vst v63  }
0x118: {  	s5 =	sadd.s32 $0x740, s20;
	s6 =	sadd.s32 s3, s29  }
0x119: {  	[tilespmem:s0], [sflag:$0x2] =	stream.linear.gather [hbm4b:s2+s1], $0x40, $0x38;
	[tilespmem:$0x12600] =	vst v63  }
0x11a: {  	_ = 	snop  }
0x11b: {  	[tilespmem:s5], [sflag:$0x1] =	stream.strided.gather [hbm4b:s6+s10], $0x0, s11, s10, $0x38;
	[tilespmem:$0x12600] =	vst v63  }
0x11c: {  	s0 =	sadd.s32 $0x8740, s20;
	s2 =	sadd.s32 s4, s25  }
0x11d: {  	[tilespmem:s5], [sflag:$0x1] =	stream.linear.gather [hbm4b:s6+s1], $0x40, $0x38;
	[tilespmem:$0x12600] =	vst v63  }
0x11e: {  	_ = 	snop  }
0x11f: {  	[tilespmem:s0], [sflag:$0x2] =	stream.strided.gather [hbm4b:s2+s10], $0x0, s11, s10, $0x38;
	[tilespmem:$0x12600] =	vst v63  }
0x120: {  	s5 =	sadd.s32 $0x780, s20;
	s6 =	sadd.s32 s3, s23  }
0x121: {  	[tilespmem:s0], [sflag:$0x2] =	stream.linear.gather [hbm4b:s2+s1], $0x40, $0x38;
	[tilespmem:$0x12600] =	vst v63  }
0x122: {  	s0 =	sand.u32 $0x1FFFFFF0, s24  }
0x123: {  	[tilespmem:s5], [sflag:$0x1] =	stream.strided.gather [hbm4b:s6+s10], $0x0, s11, s10, $0x38;
	[tilespmem:$0x12600] =	vst v63  }
0x124: {  	s2 =	sadd.s32 $0x8780, s20;
	s0 =	sadd.s32 s4, s0  }
0x125: {  	[tilespmem:s5], [sflag:$0x1] =	stream.linear.gather [hbm4b:s6+s1], $0x40, $0x38;
	[tilespmem:$0x12600] =	vst v63  }
0x126: {  	_ = 	snop  }
0x127: {  	[tilespmem:s2], [sflag:$0x2] =	stream.strided.gather [hbm4b:s0+s10], $0x0, s11, s10, $0x38;
	[tilespmem:$0x12600] =	vst v63  }
0x128: {  	s5 =	sadd.s32 $0x7C0, s20;
	s6 =	sadd.s32 s3, s22  }
0x129: {  	[tilespmem:s2], [sflag:$0x2] =	stream.linear.gather [hbm4b:s0+s1], $0x40, $0x38;
	[tilespmem:$0x12600] =	vst v63  }
0x12a: {  	s2 =	sand.u32 $0x1FFFFFF0, s21  }
0x12b: {  	[tilespmem:s5], [sflag:$0x1] =	stream.strided.gather [hbm4b:s6+s10], $0x0, s11, s10, $0x38;
	[tilespmem:$0x12600] =	vst v63  }
.Ltmp0:
0x12c: {  	_ = 	snop;
	(pc) =	sbr.rel @p0 .LBB2_2-.Ltmp0, $4  }
0x12d: {  	s0 =	sadd.s32 $0x87C0, s20;
	s2 =	sadd.s32 s4, s2  }
0x12e: {  	[tilespmem:s5], [sflag:$0x1] =	stream.linear.gather [hbm4b:s6+s1], $0x40, $0x38;
	[tilespmem:$0x12600] =	vst v63  }
0x12f: {  	_ = 	snop  }
0x130: {  	[tilespmem:s0], [sflag:$0x2] =	stream.strided.gather [hbm4b:s2+s10], $0x0, s11, s10, $0x38;
	[tilespmem:$0x12600] =	vst v63  }
0x131: {  	[tilespmem:s0], [sflag:$0x2] =	stream.linear.gather [hbm4b:s2+s1], $0x40, $0x38;
	[tilespmem:$0x12600] =	vst v63  }
0x132: {  	_ =	swait.ge [sflag:s12], $0x40  }
0x133: {  	[sflag:s12] =	ssyncset.done $0x0  }
0x134: {  	[sflag:s12] =	ssyncadd.s32 $0xFFFFFFC0  }
0x135: {  	_ =	swait.ge [sflag:s13], $0x40  }
0x136: {  	s0 =	simm.s32 $0x1FF;
	[sflag:s13] =	ssyncset.done $0x0  }
.LBB2_4:
0x137: {  	p0 =	sne.s32 s0, $0x1;
	s0 =	sadd.s32 $0xFFFFFFFF, s0;
	[sflag:s13] =	ssyncadd.s32 $0xFFFFFFC0  }
.Ltmp1:
0x138: {  	_ =	swait.ge [sflag:s12], $0x40;
	(pc) =	sbr.rel @p0 .LBB2_4-.Ltmp1, $4  }
0x139: {  	[sflag:s12] =	ssyncset.done $0x0  }
0x13a: {  	[sflag:s12] =	ssyncadd.s32 $0xFFFFFFC0  }
0x13b: {  	_ =	swait.ge [sflag:s13], $0x40  }
0x13c: {  	[sflag:s13] =	ssyncset.done $0x0  }
0x13d: {  	[sflag:s13] =	ssyncadd.s32 $0xFFFFFFC0;
	s17 =	simm.s32 $0x0  }
0x13e: {  	v1 =	vld [tilespmem:s17+$0x410]  }
0x13f: {  	v2 =	vld [tilespmem:s17+$0x8410]  }
0x140: {  	v3 =	vld [tilespmem:s17+$0x400]  }
0x141: {  	v4 =	vld [tilespmem:s17+$0x8400]  }
0x142: {  	v5 =	vld [tilespmem:s17+$0x8420]  }
0x143: {  	v6 =	vld [tilespmem:s17+$0x420]  }
0x144: {  	v7 =	vld [tilespmem:s17+$0x8430]  }
0x145: {  	v8 =	vld [tilespmem:s17+$0x430]  }
0x146: {  	v3 =	vmul.f32 v4, v3;
	v1 =	vmul.f32 v2, v1;
	_ =	sdelay $0x1  }
0x147: {  	v2 =	vmul.f32 v5, v6;
	v1 =	vadd.f32 v1, v3;
	_ =	sdelay $0x1  }
0x148: {  	v1 =	vadd.f32 v2, v1;
	v2 =	vmul.f32 v7, v8;
	_ =	sdelay $0x1  }
0x149: {  	v1 =	vadd.f32 v2, v1  }
0x14a: {  	s5 =	simm.s32 $0x10410  }
0x14b: {  	[tilespmem:s5+$0xFFFFFFF0] =	vst v1  }
0x14c: {  	v1 =	vld [tilespmem:s17+$0x440]  }
0x14d: {  	v3 =	vld [tilespmem:s17+$0x8440]  }
0x14e: {  	v2 =	vld [tilespmem:s17+$0x8450]  }
0x14f: {  	s2 =	simm.s32 $0x0;
	s6 =	simm.s32 $0x200;
	s0 =	simm.s32 $0x10410;
	v4 =	vld [tilespmem:s17+$0x450]  }
.LBB2_6:
0x150: {  	p0 =	sne.s32 s6, $0x1FE00  }
0x151: {  	v5 =	vld [tilespmem:s17+$0x460];
	s5 =	sadd.s32 $0x20, s5;
	s7 =	smov.u32 s6;
	s6 =	sadd.s32 $0x200, s6  }
0x152: {  	v6 =	vld [tilespmem:s17+$0x8460]  }
0x153: {  	v1 =	vmul.f32 v3, v1;
	v3 =	vld [tilespmem:s17+$0x470]  }
0x154: {  	v7 =	vld [tilespmem:s17+$0x8470]  }
0x155: {  	v2 =	vmul.f32 v2, v4;
	_ =	sdelay $0x1  }
0x156: {  	s17 =	sshra.s32 s7, $0x2;
	v1 =	vadd.f32 v2, v1;
	v2 =	vmul.f32 v6, v5;
	_ =	sdelay $0x1  }
0x157: {  	v1 =	vadd.f32 v2, v1;
	v2 =	vmul.f32 v7, v3;
	_ =	sdelay $0x1  }
0x158: {  	v1 =	vadd.f32 v2, v1;
	_ =	sdelay $0x1  }
0x159: {  	[tilespmem:s0+$0x0] =	vst v1;
	s0 =	smov.u32 s5  }
0x15a: {  	v1 =	vld [tilespmem:s17+$0x410]  }
0x15b: {  	v2 =	vld [tilespmem:s17+$0x8410]  }
0x15c: {  	v3 =	vld [tilespmem:s17+$0x400]  }
0x15d: {  	v4 =	vld [tilespmem:s17+$0x8400]  }
0x15e: {  	v5 =	vld [tilespmem:s17+$0x8420]  }
0x15f: {  	v6 =	vld [tilespmem:s17+$0x420]  }
0x160: {  	v7 =	vld [tilespmem:s17+$0x8430]  }
0x161: {  	v8 =	vld [tilespmem:s17+$0x430]  }
0x162: {  	v1 =	vmul.f32 v2, v1;
	v3 =	vmul.f32 v4, v3;
	_ =	sdelay $0x1  }
0x163: {  	v1 =	vadd.f32 v1, v3;
	v2 =	vmul.f32 v5, v6;
	_ =	sdelay $0x1  }
0x164: {  	v1 =	vadd.f32 v2, v1;
	v2 =	vmul.f32 v7, v8;
	_ =	sdelay $0x1  }
0x165: {  	v1 =	vadd.f32 v2, v1;
	_ =	sdelay $0x1  }
.Ltmp2:
0x166: {  	[tilespmem:s5+$0xFFFFFFF0] =	vst v1;
	(pc) =	sbr.rel @p0 .LBB2_6-.Ltmp2, $4  }
0x167: {  	v1 =	vld [tilespmem:s17+$0x440]  }
0x168: {  	v3 =	vld [tilespmem:s17+$0x8440]  }
0x169: {  	v2 =	vld [tilespmem:s17+$0x8450]  }
0x16a: {  	v4 =	vld [tilespmem:s17+$0x450]  }
0x16b: {  	v5 =	vld [tilespmem:s17+$0x460]  }
0x16c: {  	v6 =	vld [tilespmem:s17+$0x8460]  }
0x16d: {  	v7 =	vld [tilespmem:s17+$0x470]  }
0x16e: {  	v8 =	vld [tilespmem:s17+$0x8470]  }
0x16f: {  	v1 =	vmul.f32 v3, v1;
	v2 =	vmul.f32 v2, v4  }
0x170: {  	v3 =	vmov s2  }
0x171: {  	v3 =	vshll.u32 v3, $0x4;
	v1 =	vadd.f32 v2, v1;
	v2 =	vmul.f32 v6, v5  }
0x172: {  	v3 =	vor.u32 v0, v3  }
0x173: {  	v4 =	vor.u32 $0x1, v3;
	v1 =	vadd.f32 v2, v1;
	v2 =	vmul.f32 v8, v7;
	_ =	sdelay $0x1  }
0x174: {  	v1 =	vadd.f32 v2, v1  }
0x175: {  	v2 =	vor.u32 $0x2, v3  }
0x176: {  	[tilespmem:s0+$0x0] =	vst v1  }
0x177: {  	v1 =	vld.idx.msk [tilespmem:v4+s14+$0x0], $0xffff;
	v4 =	vor.u32 $0x3, v3  }
0x178: {  	v5 =	vld.idx.msk [tilespmem:v3+s14+$0x0], $0xffff  }
0x179: {  	v6 =	vor.u32 $0x4, v3  }
0x17a: {  	v2 =	vld.idx.msk [tilespmem:v2+s14+$0x0], $0xffff  }
0x17b: {  	v7 =	vor.u32 $0x5, v3  }
0x17c: {  	v4 =	vld.idx.msk [tilespmem:v4+s14+$0x0], $0xffff  }
0x17d: {  	v58 =	vor.u32 $0x6, v3;
	v1 =	vadd.f32 v1, v5  }
0x17e: {  	v5 =	vld.idx.msk [tilespmem:v6+s14+$0x0], $0xffff  }
0x17f: {  	v6 =	vor.u32 $0x7, v3;
	v1 =	vadd.f32 v2, v1  }
0x180: {  	v2 =	vld.idx.msk [tilespmem:v7+s14+$0x0], $0xffff  }
0x181: {  	v7 =	vor.u32 $0x8, v3;
	v1 =	vadd.f32 v4, v1  }
0x182: {  	v4 =	vld.idx.msk [tilespmem:v58+s14+$0x0], $0xffff  }
0x183: {  	v59 =	vor.u32 $0x9, v3;
	v1 =	vadd.f32 v5, v1  }
0x184: {  	v5 =	vld.idx.msk [tilespmem:v6+s14+$0x0], $0xffff  }
0x185: {  	v6 =	vor.u32 $0xA, v3;
	v1 =	vadd.f32 v2, v1  }
0x186: {  	v2 =	vld.idx.msk [tilespmem:v7+s14+$0x0], $0xffff  }
0x187: {  	v7 =	vor.u32 $0xB, v3;
	v1 =	vadd.f32 v4, v1  }
0x188: {  	v4 =	vld.idx.msk [tilespmem:v59+s14+$0x0], $0xffff  }
0x189: {  	v60 =	vor.u32 $0xC, v3;
	v1 =	vadd.f32 v5, v1  }
0x18a: {  	v5 =	vld.idx.msk [tilespmem:v6+s14+$0x0], $0xffff  }
0x18b: {  	v6 =	vor.u32 $0xD, v3;
	v1 =	vadd.f32 v2, v1  }
0x18c: {  	v2 =	vld.idx.msk [tilespmem:v7+s14+$0x0], $0xffff  }
0x18d: {  	v7 =	vor.u32 $0xE, v3;
	v1 =	vadd.f32 v4, v1  }
0x18e: {  	v4 =	vld.idx.msk [tilespmem:v60+s14+$0x0], $0xffff  }
0x18f: {  	v3 =	vor.u32 $0xF, v3;
	v1 =	vadd.f32 v5, v1  }
0x190: {  	v5 =	vld.idx.msk [tilespmem:v6+s14+$0x0], $0xffff  }
0x191: {  	v1 =	vadd.f32 v2, v1  }
0x192: {  	v2 =	vld.idx.msk [tilespmem:v7+s14+$0x0], $0xffff  }
0x193: {  	s30 =	simm.s32 $0x10;
	v1 =	vadd.f32 v4, v1  }
0x194: {  	v3 =	vld.idx.msk [tilespmem:v3+s14+$0x0], $0xffff;
	v4 =	vmov s30  }
0x195: {  	v4 =	vshll.u32 v4, $0x4;
	v1 =	vadd.f32 v5, v1  }
0x196: {  	v4 =	vor.u32 v0, v4  }
0x197: {  	v5 =	vor.u32 $0x1, v4;
	v1 =	vadd.f32 v2, v1;
	_ =	sdelay $0x1  }
0x198: {  	v1 =	vadd.f32 v3, v1  }
0x199: {  	s17 =	simm.s32 $0x12400;
	v2 =	vor.u32 $0x2, v4  }
0x19a: {  	[tilespmem:s17+$0x0] =	vst v1  }
0x19b: {  	v3 =	vor.u32 $0x3, v4;
	v1 =	vld.idx.msk [tilespmem:v5+s14+$0x0], $0xffff  }
0x19c: {  	v5 =	vld.idx.msk [tilespmem:v4+s14+$0x0], $0xffff  }
0x19d: {  	v6 =	vor.u32 $0x4, v4  }
0x19e: {  	v2 =	vld.idx.msk [tilespmem:v2+s14+$0x0], $0xffff  }
0x19f: {  	v7 =	vor.u32 $0x5, v4  }
0x1a0: {  	v3 =	vld.idx.msk [tilespmem:v3+s14+$0x0], $0xffff  }
0x1a1: {  	v61 =	vor.u32 $0x6, v4;
	v1 =	vadd.f32 v1, v5  }
0x1a2: {  	v5 =	vld.idx.msk [tilespmem:v6+s14+$0x0], $0xffff  }
0x1a3: {  	v6 =	vor.u32 $0x7, v4;
	v1 =	vadd.f32 v2, v1  }
0x1a4: {  	v2 =	vld.idx.msk [tilespmem:v7+s14+$0x0], $0xffff  }
0x1a5: {  	v7 =	vor.u32 $0x8, v4;
	v1 =	vadd.f32 v3, v1  }
0x1a6: {  	v3 =	vld.idx.msk [tilespmem:v61+s14+$0x0], $0xffff  }
0x1a7: {  	v62 =	vor.u32 $0x9, v4;
	v1 =	vadd.f32 v5, v1  }
0x1a8: {  	v5 =	vld.idx.msk [tilespmem:v6+s14+$0x0], $0xffff  }
0x1a9: {  	v6 =	vor.u32 $0xA, v4;
	v1 =	vadd.f32 v2, v1  }
0x1aa: {  	v2 =	vld.idx.msk [tilespmem:v7+s14+$0x0], $0xffff  }
0x1ab: {  	v7 =	vor.u32 $0xB, v4;
	v1 =	vadd.f32 v3, v1  }
0x1ac: {  	v3 =	vld.idx.msk [tilespmem:v62+s14+$0x0], $0xffff  }
0x1ad: {  	v63 =	vor.u32 $0xC, v4;
	v1 =	vadd.f32 v5, v1  }
0x1ae: {  	v5 =	vld.idx.msk [tilespmem:v6+s14+$0x0], $0xffff  }
0x1af: {  	v1 =	vadd.f32 v2, v1  }
0x1b0: {  	v6 =	vor.u32 $0xD, v4;
	v2 =	vld.idx.msk [tilespmem:v7+s14+$0x0], $0xffff  }
0x1b1: {  	v1 =	vadd.f32 v3, v1  }
0x1b2: {  	v7 =	vor.u32 $0xE, v4;
	v3 =	vld.idx.msk [tilespmem:v63+s14+$0x0], $0xffff  }
0x1b3: {  	v1 =	vadd.f32 v5, v1  }
0x1b4: {  	v4 =	vor.u32 $0xF, v4  }
0x1b5: {  	v5 =	vld.idx.msk [tilespmem:v6+s14+$0x0], $0xffff;
	v1 =	vadd.f32 v2, v1;
	_ =	sdelay $0x1  }
0x1b6: {  	v3 =	vadd.f32 v3, v1;
	v1 =	vld.idx.msk [tilespmem:v7+s14+$0x0], $0xffff  }
0x1b7: {  	s31 =	simm.s32 $0x20  }
0x1b8: {  	v6 =	vmov s31;
	v2 =	vld.idx.msk [tilespmem:v4+s14+$0x0], $0xffff  }
0x1b9: {  	s18 =	simm.s32 $0x30;
	v4 =	vshll.u32 v6, $0x4;
	v3 =	vadd.f32 v5, v3  }
.LBB2_8:
0x1ba: {  	p0 =	sne.s32 s18, $0x1F0;
	v4 =	vor.u32 v0, v4  }
0x1bb: {  	v5 =	vor.u32 $0x1, v4;
	v1 =	vadd.f32 v1, v3;
	_ =	sdelay $0x1  }
0x1bc: {  	v1 =	vadd.f32 v2, v1  }
0x1bd: {  	s17 =	sadd.s32 $0x10, s17;
	v2 =	vor.u32 $0x2, v4  }
0x1be: {  	[tilespmem:s17+$0x0] =	vst v1  }
0x1bf: {  	v3 =	vor.u32 $0x3, v4;
	v1 =	vld.idx.msk [tilespmem:v5+s14+$0x0], $0xffff  }
0x1c0: {  	v5 =	vld.idx.msk [tilespmem:v4+s14+$0x0], $0xffff  }
0x1c1: {  	v6 =	vor.u32 $0x4, v4  }
0x1c2: {  	v2 =	vld.idx.msk [tilespmem:v2+s14+$0x0], $0xffff  }
0x1c3: {  	v7 =	vor.u32 $0x5, v4  }
0x1c4: {  	v3 =	vld.idx.msk [tilespmem:v3+s14+$0x0], $0xffff  }
0x1c5: {  	v8 =	vor.u32 $0x6, v4  }
0x1c6: {  	v1 =	vadd.f32 v1, v5;
	v5 =	vld.idx.msk [tilespmem:v6+s14+$0x0], $0xffff  }
0x1c7: {  	v6 =	vor.u32 $0x7, v4  }
0x1c8: {  	v1 =	vadd.f32 v2, v1;
	v2 =	vld.idx.msk [tilespmem:v7+s14+$0x0], $0xffff  }
0x1c9: {  	v7 =	vor.u32 $0x8, v4  }
0x1ca: {  	v1 =	vadd.f32 v3, v1;
	v3 =	vld.idx.msk [tilespmem:v8+s14+$0x0], $0xffff  }
0x1cb: {  	v8 =	vor.u32 $0x9, v4  }
0x1cc: {  	v1 =	vadd.f32 v5, v1;
	v5 =	vld.idx.msk [tilespmem:v6+s14+$0x0], $0xffff  }
0x1cd: {  	v6 =	vor.u32 $0xA, v4  }
0x1ce: {  	v1 =	vadd.f32 v2, v1;
	v2 =	vld.idx.msk [tilespmem:v7+s14+$0x0], $0xffff  }
0x1cf: {  	v7 =	vor.u32 $0xB, v4  }
0x1d0: {  	v1 =	vadd.f32 v3, v1;
	v3 =	vld.idx.msk [tilespmem:v8+s14+$0x0], $0xffff  }
0x1d1: {  	v8 =	vor.u32 $0xC, v4  }
0x1d2: {  	v1 =	vadd.f32 v5, v1;
	v5 =	vld.idx.msk [tilespmem:v6+s14+$0x0], $0xffff  }
0x1d3: {  	v6 =	vor.u32 $0xD, v4  }
0x1d4: {  	v1 =	vadd.f32 v2, v1;
	v2 =	vld.idx.msk [tilespmem:v7+s14+$0x0], $0xffff  }
0x1d5: {  	v7 =	vor.u32 $0xE, v4  }
0x1d6: {  	v1 =	vadd.f32 v3, v1;
	v3 =	vld.idx.msk [tilespmem:v8+s14+$0x0], $0xffff  }
0x1d7: {  	v4 =	vor.u32 $0xF, v4  }
0x1d8: {  	v1 =	vadd.f32 v5, v1;
	v5 =	vld.idx.msk [tilespmem:v6+s14+$0x0], $0xffff;
	_ =	sdelay $0x1  }
.Ltmp3:
0x1d9: {  	v2 =	vadd.f32 v2, v1;
	v1 =	vld.idx.msk [tilespmem:v7+s14+$0x0], $0xffff;
	(pc) =	sbr.rel @p0 .LBB2_8-.Ltmp3, $4  }
0x1da: {  	_ = 	snop  }
0x1db: {  	v3 =	vadd.f32 v3, v2;
	v2 =	vld.idx.msk [tilespmem:v4+s14+$0x0], $0xffff  }
0x1dc: {  	v4 =	vmov s18  }
0x1dd: {  	s18 =	sadd.s32 $0x10, s18;
	v4 =	vshll.u32 v4, $0x4;
	v3 =	vadd.f32 v5, v3  }
0x1de: {  	v4 =	vor.u32 v0, v4  }
0x1df: {  	v5 =	vor.u32 $0x1, v4;
	v1 =	vadd.f32 v1, v3;
	_ =	sdelay $0x1  }
0x1e0: {  	v1 =	vadd.f32 v2, v1  }
0x1e1: {  	s0 =	sadd.s32 $0x10, s17;
	v2 =	vor.u32 $0x2, v4  }
0x1e2: {  	[tilespmem:s0+$0x0] =	vst v1  }
0x1e3: {  	v3 =	vor.u32 $0x3, v4;
	v1 =	vld.idx.msk [tilespmem:v5+s14+$0x0], $0xffff  }
0x1e4: {  	v51 =	vld.idx.msk [tilespmem:v4+s14+$0x0], $0xffff  }
0x1e5: {  	v6 =	vor.u32 $0x4, v4  }
0x1e6: {  	v2 =	vld.idx.msk [tilespmem:v2+s14+$0x0], $0xffff  }
0x1e7: {  	v7 =	vor.u32 $0x5, v4  }
0x1e8: {  	v3 =	vld.idx.msk [tilespmem:v3+s14+$0x0], $0xffff  }
0x1e9: {  	v8 =	vor.u32 $0x6, v4;
	v1 =	vadd.f32 v1, v51  }
0x1ea: {  	v52 =	vld.idx.msk [tilespmem:v6+s14+$0x0], $0xffff  }
0x1eb: {  	v53 =	vor.u32 $0x7, v4;
	v1 =	vadd.f32 v2, v1  }
0x1ec: {  	v2 =	vld.idx.msk [tilespmem:v7+s14+$0x0], $0xffff  }
0x1ed: {  	v54 =	vor.u32 $0x8, v4;
	v1 =	vadd.f32 v3, v1  }
0x1ee: {  	v3 =	vld.idx.msk [tilespmem:v8+s14+$0x0], $0xffff  }
0x1ef: {  	v55 =	vor.u32 $0x9, v4;
	v1 =	vadd.f32 v52, v1  }
0x1f0: {  	v56 =	vld.idx.msk [tilespmem:v53+s14+$0x0], $0xffff  }
0x1f1: {  	v57 =	vor.u32 $0xA, v4;
	v1 =	vadd.f32 v2, v1  }
0x1f2: {  	v2 =	vld.idx.msk [tilespmem:v54+s14+$0x0], $0xffff  }
0x1f3: {  	v58 =	vor.u32 $0xB, v4;
	v1 =	vadd.f32 v3, v1  }
0x1f4: {  	v3 =	vld.idx.msk [tilespmem:v55+s14+$0x0], $0xffff  }
0x1f5: {  	v59 =	vor.u32 $0xC, v4;
	v1 =	vadd.f32 v56, v1  }
0x1f6: {  	v60 =	vld.idx.msk [tilespmem:v57+s14+$0x0], $0xffff  }
0x1f7: {  	v61 =	vor.u32 $0xD, v4;
	v1 =	vadd.f32 v2, v1  }
0x1f8: {  	v2 =	vld.idx.msk [tilespmem:v58+s14+$0x0], $0xffff  }
0x1f9: {  	v62 =	vor.u32 $0xE, v4;
	v1 =	vadd.f32 v3, v1  }
0x1fa: {  	v3 =	vld.idx.msk [tilespmem:v59+s14+$0x0], $0xffff  }
0x1fb: {  	v4 =	vor.u32 $0xF, v4;
	v1 =	vadd.f32 v60, v1  }
0x1fc: {  	v63 =	vld.idx.msk [tilespmem:v61+s14+$0x0], $0xffff  }
0x1fd: {  	v1 =	vadd.f32 v2, v1  }
0x1fe: {  	v2 =	vld.idx.msk [tilespmem:v62+s14+$0x0], $0xffff  }
0x1ff: {  	v1 =	vadd.f32 v3, v1  }
0x200: {  	v3 =	vld.idx.msk [tilespmem:v4+s14+$0x0], $0xffff  }
0x201: {  	v1 =	vadd.f32 v63, v1;
	_ =	sdelay $0x1  }
0x202: {  	v1 =	vadd.f32 v2, v1;
	_ =	sdelay $0x1  }
0x203: {  	v1 =	vadd.f32 v3, v1  }
0x204: {  	s0 =	sadd.s32 $0x10, s0  }
0x205: {  	s30 =	rddreg [dreg:$0x7];
	s2 =	simm.s32 $0x12400;
	[tilespmem:s0+$0x0] =	vst v1  }
0x206: {  	[hbm4b:s30+s1] =	stream.linear.scatter [tilespmem:s2], [sflag:$0x3], $0x200, $0x38;
	[tilespmem:$0x12600] =	vst v63  }
0x207: {  	s2 =	simm.s32 $0x3  }
0x208: {  	_ =	swait.ge [sflag:s2], $0x200  }
0x209: {  	s16 =	sadd.s32 $0x1, s16;
	s31 =	rddreg [dreg:$0x8]  }
0x20a: {  	p0 =	sne.s32 s16, s31  }
.Ltmp4:
0x20b: {  	_ = 	snop;
	(pc) =	sbr.rel @p0 .LBB2_1-.Ltmp4, $3  }
0x20c: {  	_ =	sdelay $0x1  }
0x20d: {  	[sflag:s2] =	ssyncset.done $0x0  }
0x20e: {  	[sflag:s2] =	ssyncadd.s32 $0xFFFFFE00  }
0x20f: {  	_ =	sfence.sel $0x180000  }
0x210: {  	[bflag:$0x0] =	sbarrier.arrive $0xFFFF  }
0x211: {  	_ =	strace $0x90000047  }
0x212: {  	s0 =	stileid.u32;
	[bflag:$0x2] =	sbarrier.arrive $0xFFFF  }
0x213: {  	p0 =	sne.s32 s0, $0x0;
	s0 =	rddreg [dreg:$0x4]  }
0x214: {  	s0 =	sadd.s32 @!p0 $0x100000, s0  }
0x215: {  	[sflag:s0] =	ssyncadd.tile.s32 @!p0 $0x1;
	_ =	shalt  }
.Lfunc_end2:
_tile_overlayer_lowered:
.L_overlay_start_2:
0x216: {  	(tag) =	ssettag $0x2  }
0x217: {  	s0 =	rddreg [dreg:$0x0];
	s2 =	stileid.u32  }
0x218: {  	s1 =	rddreg [dreg:$0x1];
	p0 =	sne.s32 s2, $0x0  }
0x219: {  	s3 =	rddreg [dreg:$0x2];
	[bflag:$0x3] =	sbarrier.arrive $0xFFFF;
	s2 =	simm.s32 @!p0 $0x1C03  }
0x21a: {  	[timem:s3], [sflag:s2] =	dma.local @!p0 [hbm:s0], s1  }
0x21b: {  	s0 =	simm.s32 @!p0 $0x3  }
0x21c: {  	_ =	swait.ge @!p0 [sflag:s0], s1  }
0x21d: {  	s1 =	ssub.s32 @!p0 $0x0, s1;
	[sflag:s0] =	ssyncset.done @!p0 $0x0  }
0x21e: {  	[sflag:s0] =	ssyncadd.s32 @!p0 s1  }
0x21f: {  	[bflag:$0x3] =	sbarrier.arrive $0xFFFF  }
0x220: {  	_ =	shalt  }

</sc_bundles>
